<compile_context>
chip_gen: v7x
topology: tpu7x:2x2x1
jax: 0.10.2.dev20260603
libtpu: 0.0.44.dev20260713+nightly
codegen_flags: <defaults>
</compile_context>

<pallas_src>
import functools

import jax
import jax.numpy as jnp
from jax import lax
from jax.experimental import pallas as pl
from jax.experimental.pallas import tpu as pltpu
from jax.experimental.pallas import tpu_sc as plsc

N = 6291456
TOTAL = 25165824
W = 1835008
NWIN = 14
LASTW = TOTAL - 13 * W
NPASS = 7
NT = 16
PER_TILE = N // NT
CHUNK = 4096
NCHUNK = PER_TILE // CHUNK
NPAIR = NCHUNK // 2
ZB = CHUNK
SLICE = W // NT
DUMPMASK = (1 << 20) - 1


def _body(idx_hbm, val_hbm, out_hbm, win):
    pl.run_scoped(
        functools.partial(_scan, idx_hbm, val_hbm, out_hbm, win),
        pltpu.VMEM((CHUNK,), jnp.int32),
        pltpu.VMEM((CHUNK,), jnp.float32),
        pltpu.VMEM((CHUNK,), jnp.int32),
        pltpu.VMEM((CHUNK,), jnp.float32),
        pltpu.SemaphoreType.DMA,
        pltpu.SemaphoreType.DMA,
        pltpu.SemaphoreType.DMA,
        pltpu.SemaphoreType.DMA,
        pltpu.SemaphoreType.DMA,
    )


def _scan(idx_hbm, val_hbm, out_hbm, win, idx_a, val_a, idx_b, val_b,
          lsem_a, lsem_b, ssem_a, ssem_b, zsem):
    c = lax.axis_index("c")
    s = lax.axis_index("s")
    z16 = jnp.zeros((16,), jnp.float32)


    def load(k, ibuf, vbuf, sem):
        off = s * PER_TILE + k * CHUNK
        pltpu.async_copy(idx_hbm.at[pl.ds(off, CHUNK)], ibuf, sem)
        pltpu.async_copy(val_hbm.at[pl.ds(off, CHUNK)], vbuf, sem)

    def wait_load(k, ibuf, vbuf, sem):
        del k
        pltpu.make_async_copy(idx_hbm.at[pl.ds(0, CHUNK)], ibuf, sem).wait()
        pltpu.make_async_copy(val_hbm.at[pl.ds(0, CHUNK)], vbuf, sem).wait()

    def pass_body(p, carry):
        wid = 2 * p + c
        base = wid * W
        bound = jnp.where(wid == NWIN - 1, jnp.uint32(LASTW), jnp.uint32(W))

        def zb_init(i, carry):
            val_a[pl.ds(i * 16, 16)] = z16
            return carry

        lax.fori_loop(0, ZB // 16, zb_init, 0)
        for j in range(SLICE // ZB):
            pltpu.async_copy(val_a, win.at[pl.ds(s * SLICE + j * ZB, ZB)],
                             zsem)
        for j in range(SLICE // ZB):
            pltpu.make_async_copy(
                val_a, win.at[pl.ds(s * SLICE + j * ZB, ZB)], zsem).wait()
        plsc.subcore_barrier()

        load(0, idx_a, val_a, lsem_a)
        load(1, idx_b, val_b, lsem_b)

        def compute(ibuf, vbuf):
            def vec_body(i, carry2):
                for u in range(4):
                    o = (i * 4 + u) * 16
                    iv = ibuf[pl.ds(o, 16)]
                    vv = vbuf[pl.ds(o, 16)]
                    rel = iv - base
                    m = plsc.bitcast(rel, jnp.uint32) < bound
                    ibuf[pl.ds(o, 16)] = jnp.where(m, rel, rel & DUMPMASK)
                    vbuf[pl.ds(o, 16)] = jnp.where(m, vv, 0.0)
                return carry2

            lax.fori_loop(0, CHUNK // 64, vec_body, 0)

        def wait_scatter(vbuf, sem):
            pltpu.make_async_copy(vbuf, win.at[pl.ds(0, CHUNK)], sem).wait()

        def pair_body(q, carry1):
            wait_load(2 * q, idx_a, val_a, lsem_a)
            compute(idx_a, val_a)
            pltpu.async_copy(val_a, win.at[idx_a], ssem_a, add=True)

            wait_load(2 * q + 1, idx_b, val_b, lsem_b)
            compute(idx_b, val_b)
            pltpu.async_copy(val_b, win.at[idx_b], ssem_b, add=True)

            @pl.when(q + 1 < NPAIR)
            def _():
                wait_scatter(val_a, ssem_a)
                load(2 * q + 2, idx_a, val_a, lsem_a)
                wait_scatter(val_b, ssem_b)
                load(2 * q + 3, idx_b, val_b, lsem_b)

            return carry1

        lax.fori_loop(0, NPAIR, pair_body, 0)
        wait_scatter(val_a, ssem_a)
        wait_scatter(val_b, ssem_b)
        plsc.subcore_barrier()

        @pl.when(wid != NWIN - 1)
        def _():
            pltpu.sync_copy(win.at[pl.ds(s * SLICE, SLICE)],
                            out_hbm.at[pl.ds(base + s * SLICE, SLICE)])

        @pl.when(wid == NWIN - 1)
        def _():
            lsl = LASTW // NT
            pltpu.sync_copy(win.at[pl.ds(s * lsl, lsl)],
                            out_hbm.at[pl.ds(base + s * lsl, lsl)])

        return carry

    lax.fori_loop(0, NPASS, pass_body, 0)


@jax.jit
def _unpool(idx, val):
    mesh = plsc.VectorSubcoreMesh(core_axis_name="c", subcore_axis_name="s")
    call = pl.kernel(
        _body,
        out_type=jax.ShapeDtypeStruct((TOTAL,), jnp.float32),
        mesh=mesh,
        scratch_types=[
            pltpu.VMEM_SHARED((W,), jnp.float32),
        ],
    )
    return call(idx, val)


def kernel(val, index):
    idx = jnp.reshape(index, (-1,)).astype(jnp.int32)
    v = jnp.reshape(val, (-1,))
    flat = _unpool(idx, v)
    return jnp.reshape(flat, (1, 512, 512, 96))

# --- scband reference (transcript-rebuilt; emitter-appended) ---
"""Pipeline reference for scband-indices-maxpool-80968723464884 (READ-ONLY COPY).

The authoritative reference and input builder live on the scoring server;
editing this copy changes nothing except your own understanding.
"""

import jax, jax.numpy as jnp
import numpy as np


def setup_inputs(seed: int = 0) -> dict:
    key = jax.random.key(seed)
    k1, k2 = jax.random.split(key)
    val = jax.random.normal(k1, (1, 256, 256, 96), dtype=jnp.float32)
    index = jax.random.randint(k2, (1, 256, 256, 96), 0, 25165824, dtype=jnp.int64)
    return {"val": val, "index": index}


def reference(val, index):
    # Faithful translation of Indices_Maxpool.call: max-unpooling via scatter.
    input_size = index.shape
    # output_size doubles the first two spatial dims (H, W), keeps channels.
    output_size = [x * 2 if i == 0 or i == 1 else x for i, x in enumerate(input_size[1:])]
    total = int(np.prod(output_size))
    flat_idx = jnp.reshape(index, (-1,))
    flat_val = jnp.reshape(val, (-1,))
    # tf.scatter_nd sums duplicate indices -> use .at[].add on a zeros buffer.
    flat_out = jnp.zeros((1 * total,), dtype=val.dtype).at[flat_idx].add(flat_val)
    output = jnp.reshape(flat_out, [-1] + output_size)
    return output

if __name__ == "__main__":
    import jax
    _d = setup_inputs()
    print(jax.jit(kernel)(*tuple(_d.values())))

</pallas_src>

<mosaic_0001>
#map = affine_map<(d0, d1) -> (0)>
module attributes {stable_mosaic.version = 14 : i64} {
  func.func @_body(%arg0: i32, %arg1: i32, %arg2: memref<6291456xi32, #tpu.memory_space<hbm>>, %arg3: memref<6291456xf32, #tpu.memory_space<hbm>>, %arg4: memref<25165824xf32, #tpu.memory_space<hbm>>, %arg5: memref<1835008xf32, #tpu.memory_space<vmem_shared>>) attributes {dimension_semantics = [#tpu.dimension_semantics<core_parallel>, #tpu.dimension_semantics<subcore_parallel>], iteration_bounds = array<i64: 2, 16>, scalar_prefetch = 0 : i64, scratch_operands = 1 : i64, tpu.core_type = #tpu.core_type<sc_vector_subcore>, window_params = [{transform_indices = #map}, {transform_indices = #map}, {transform_indices = #map}]} {
    "tpu.region"() ({
      %run_scoped3A = memref.alloca() : memref<4096xi32, #tpu.memory_space<vmem>>
      %run_scoped3A_0 = memref.alloca() : memref<4096xf32, #tpu.memory_space<vmem>>
      %run_scoped3A_1 = memref.alloca() : memref<4096xi32, #tpu.memory_space<vmem>>
      %run_scoped3A_2 = memref.alloca() : memref<4096xf32, #tpu.memory_space<vmem>>
      %run_scoped3A_3 = tpu.sem_alloc : memref<!tpu.dma_semaphore, #tpu.memory_space<semaphore_mem>>
      %run_scoped3A_4 = tpu.sem_alloc : memref<!tpu.dma_semaphore, #tpu.memory_space<semaphore_mem>>
      %run_scoped3A_5 = tpu.sem_alloc : memref<!tpu.dma_semaphore, #tpu.memory_space<semaphore_mem>>
      %run_scoped3A_6 = tpu.sem_alloc : memref<!tpu.dma_semaphore, #tpu.memory_space<semaphore_mem>>
      %run_scoped3A_7 = tpu.sem_alloc : memref<!tpu.dma_semaphore, #tpu.memory_space<semaphore_mem>>
      %broadcast_in_dim3A = arith.constant 0.000000e+00 : f32
      %broadcast_in_dim3A_8 = vector.broadcast %broadcast_in_dim3A : f32 to vector<16xf32>
      %scan3A = arith.constant 0 : i32
      %scan3A_9 = arith.constant 0 : i32
      %scan3A_10 = arith.constant 7 : i32
      %scan3A_11 = arith.addi %scan3A_9, %scan3A_10 : i32
      %scan3A_12 = arith.constant 1 : i32
      scf.for %scan3A_14 = %scan3A_9 to %scan3A_11 step %scan3A_12  : i32 {
        %mul3A = arith.constant 2 : i32
        %mul3A_15 = arith.muli %mul3A, %scan3A_14 : i32
        %add3A = arith.addi %mul3A_15, %arg0 : i32
        %mul3A_16 = arith.constant 1835008 : i32
        %mul3A_17 = arith.muli %add3A, %mul3A_16 : i32
        %eq3A = arith.constant 13 : i32
        %eq3A_18 = arith.cmpi eq, %add3A, %eq3A : i32
        %jit3A = arith.constant 1310720 : i32
        %jit3A_19 = arith.constant 1835008 : i32
        %select_n3A = arith.select %eq3A_18, %jit3A, %jit3A_19 : i32
        %scan3A_20 = arith.constant 0 : i32
        %scan3A_21 = arith.constant 0 : i32
        %scan3A_22 = arith.constant 256 : i32
        %scan3A_23 = arith.addi %scan3A_21, %scan3A_22 : i32
        %scan3A_24 = arith.constant 1 : i32
        scf.for %scan3A_398 = %scan3A_21 to %scan3A_23 step %scan3A_24  : i32 {
          %mul3A_399 = arith.constant 16 : i32
          %mul3A_400 = arith.muli %scan3A_398, %mul3A_399 : i32
          %swap3A = arith.index_cast %mul3A_400 : i32 to index
          %swap3A_401 = tpu.vector_load %run_scoped3A_0[%swap3A] {strides = array<i32>} : memref<4096xf32, #tpu.memory_space<vmem>>, vector<16xf32>,
          %swap3A_402 = vector.shape_cast %swap3A_401 : vector<16xf32> to vector<16xf32>
          %swap3A_403 = vector.shape_cast %broadcast_in_dim3A_8 : vector<16xf32> to vector<16xf32>
          tpu.vector_store %run_scoped3A_0[%swap3A], %swap3A_403 {strides = array<i32>} : memref<4096xf32, #tpu.memory_space<vmem>>, vector<16xf32>,
        }
        %scan3A_25 = arith.constant 256 : i32
        %mul3A_26 = arith.constant 114688 : i32
        %mul3A_27 = arith.muli %arg1, %mul3A_26 : i32
        %add3A_28 = arith.constant 0 : i32
        %add3A_29 = arith.addi %mul3A_27, %add3A_28 : i32
        %dma_start3A = tpu.memref_slice %arg5[%add3A_29] : memref<1835008xf32, #tpu.memory_space<vmem_shared>> -> memref<4096xf32, #tpu.memory_space<vmem_shared>>
        %dma_start3A_30 = tpu.memref_slice %arg5[%add3A_29] : memref<1835008xf32, #tpu.memory_space<vmem_shared>> -> memref<4096xf32, #tpu.memory_space<vmem_shared>>
        tpu.enqueue_dma source(%run_scoped3A_0 : memref<4096xf32, #tpu.memory_space<vmem>>) target(%dma_start3A_30 : memref<4096xf32, #tpu.memory_space<vmem_shared>>) target_semaphore(%run_scoped3A_7 : memref<!tpu.dma_semaphore, #tpu.memory_space<semaphore_mem>>)
        %mul3A_31 = arith.constant 114688 : i32
        %mul3A_32 = arith.muli %arg1, %mul3A_31 : i32
        %add3A_33 = arith.constant 4096 : i32
        %add3A_34 = arith.addi %mul3A_32, %add3A_33 : i32
        %dma_start3A_35 = tpu.memref_slice %arg5[%add3A_34] : memref<1835008xf32, #tpu.memory_space<vmem_shared>> -> memref<4096xf32, #tpu.memory_space<vmem_shared>>
        %dma_start3A_36 = tpu.memref_slice %arg5[%add3A_34] : memref<1835008xf32, #tpu.memory_space<vmem_shared>> -> memref<4096xf32, #tpu.memory_space<vmem_shared>>
        tpu.enqueue_dma source(%run_scoped3A_0 : memref<4096xf32, #tpu.memory_space<vmem>>) target(%dma_start3A_36 : memref<4096xf32, #tpu.memory_space<vmem_shared>>) target_semaphore(%run_scoped3A_7 : memref<!tpu.dma_semaphore, #tpu.memory_space<semaphore_mem>>)
        %mul3A_37 = arith.constant 114688 : i32
        %mul3A_38 = arith.muli %arg1, %mul3A_37 : i32
        %add3A_39 = arith.constant 8192 : i32
        %add3A_40 = arith.addi %mul3A_38, %add3A_39 : i32
        %dma_start3A_41 = tpu.memref_slice %arg5[%add3A_40] : memref<1835008xf32, #tpu.memory_space<vmem_shared>> -> memref<4096xf32, #tpu.memory_space<vmem_shared>>
        %dma_start3A_42 = tpu.memref_slice %arg5[%add3A_40] : memref<1835008xf32, #tpu.memory_space<vmem_shared>> -> memref<4096xf32, #tpu.memory_space<vmem_shared>>
        tpu.enqueue_dma source(%run_scoped3A_0 : memref<4096xf32, #tpu.memory_space<vmem>>) target(%dma_start3A_42 : memref<4096xf32, #tpu.memory_space<vmem_shared>>) target_semaphore(%run_scoped3A_7 : memref<!tpu.dma_semaphore, #tpu.memory_space<semaphore_mem>>)
        %mul3A_43 = arith.constant 114688 : i32
        %mul3A_44 = arith.muli %arg1, %mul3A_43 : i32
        %add3A_45 = arith.constant 12288 : i32
        %add3A_46 = arith.addi %mul3A_44, %add3A_45 : i32
        %dma_start3A_47 = tpu.memref_slice %arg5[%add3A_46] : memref<1835008xf32, #tpu.memory_space<vmem_shared>> -> memref<4096xf32, #tpu.memory_space<vmem_shared>>
        %dma_start3A_48 = tpu.memref_slice %arg5[%add3A_46] : memref<1835008xf32, #tpu.memory_space<vmem_shared>> -> memref<4096xf32, #tpu.memory_space<vmem_shared>>
        tpu.enqueue_dma source(%run_scoped3A_0 : memref<4096xf32, #tpu.memory_space<vmem>>) target(%dma_start3A_48 : memref<4096xf32, #tpu.memory_space<vmem_shared>>) target_semaphore(%run_scoped3A_7 : memref<!tpu.dma_semaphore, #tpu.memory_space<semaphore_mem>>)
        %mul3A_49 = arith.constant 114688 : i32
        %mul3A_50 = arith.muli %arg1, %mul3A_49 : i32
        %add3A_51 = arith.constant 16384 : i32
        %add3A_52 = arith.addi %mul3A_50, %add3A_51 : i32
        %dma_start3A_53 = tpu.memref_slice %arg5[%add3A_52] : memref<1835008xf32, #tpu.memory_space<vmem_shared>> -> memref<4096xf32, #tpu.memory_space<vmem_shared>>
        %dma_start3A_54 = tpu.memref_slice %arg5[%add3A_52] : memref<1835008xf32, #tpu.memory_space<vmem_shared>> -> memref<4096xf32, #tpu.memory_space<vmem_shared>>
        tpu.enqueue_dma source(%run_scoped3A_0 : memref<4096xf32, #tpu.memory_space<vmem>>) target(%dma_start3A_54 : memref<4096xf32, #tpu.memory_space<vmem_shared>>) target_semaphore(%run_scoped3A_7 : memref<!tpu.dma_semaphore, #tpu.memory_space<semaphore_mem>>)
        %mul3A_55 = arith.constant 114688 : i32
        %mul3A_56 = arith.muli %arg1, %mul3A_55 : i32
        %add3A_57 = arith.constant 20480 : i32
        %add3A_58 = arith.addi %mul3A_56, %add3A_57 : i32
        %dma_start3A_59 = tpu.memref_slice %arg5[%add3A_58] : memref<1835008xf32, #tpu.memory_space<vmem_shared>> -> memref<4096xf32, #tpu.memory_space<vmem_shared>>
        %dma_start3A_60 = tpu.memref_slice %arg5[%add3A_58] : memref<1835008xf32, #tpu.memory_space<vmem_shared>> -> memref<4096xf32, #tpu.memory_space<vmem_shared>>
        tpu.enqueue_dma source(%run_scoped3A_0 : memref<4096xf32, #tpu.memory_space<vmem>>) target(%dma_start3A_60 : memref<4096xf32, #tpu.memory_space<vmem_shared>>) target_semaphore(%run_scoped3A_7 : memref<!tpu.dma_semaphore, #tpu.memory_space<semaphore_mem>>)
        %mul3A_61 = arith.constant 114688 : i32
        %mul3A_62 = arith.muli %arg1, %mul3A_61 : i32
        %add3A_63 = arith.constant 24576 : i32
        %add3A_64 = arith.addi %mul3A_62, %add3A_63 : i32
        %dma_start3A_65 = tpu.memref_slice %arg5[%add3A_64] : memref<1835008xf32, #tpu.memory_space<vmem_shared>> -> memref<4096xf32, #tpu.memory_space<vmem_shared>>
        %dma_start3A_66 = tpu.memref_slice %arg5[%add3A_64] : memref<1835008xf32, #tpu.memory_space<vmem_shared>> -> memref<4096xf32, #tpu.memory_space<vmem_shared>>
        tpu.enqueue_dma source(%run_scoped3A_0 : memref<4096xf32, #tpu.memory_space<vmem>>) target(%dma_start3A_66 : memref<4096xf32, #tpu.memory_space<vmem_shared>>) target_semaphore(%run_scoped3A_7 : memref<!tpu.dma_semaphore, #tpu.memory_space<semaphore_mem>>)
        %mul3A_67 = arith.constant 114688 : i32
        %mul3A_68 = arith.muli %arg1, %mul3A_67 : i32
        %add3A_69 = arith.constant 28672 : i32
        %add3A_70 = arith.addi %mul3A_68, %add3A_69 : i32
        %dma_start3A_71 = tpu.memref_slice %arg5[%add3A_70] : memref<1835008xf32, #tpu.memory_space<vmem_shared>> -> memref<4096xf32, #tpu.memory_space<vmem_shared>>
        %dma_start3A_72 = tpu.memref_slice %arg5[%add3A_70] : memref<1835008xf32, #tpu.memory_space<vmem_shared>> -> memref<4096xf32, #tpu.memory_space<vmem_shared>>
        tpu.enqueue_dma source(%run_scoped3A_0 : memref<4096xf32, #tpu.memory_space<vmem>>) target(%dma_start3A_72 : memref<4096xf32, #tpu.memory_space<vmem_shared>>) target_semaphore(%run_scoped3A_7 : memref<!tpu.dma_semaphore, #tpu.memory_space<semaphore_mem>>)
        %mul3A_73 = arith.constant 114688 : i32
        %mul3A_74 = arith.muli %arg1, %mul3A_73 : i32
        %add3A_75 = arith.constant 32768 : i32
        %add3A_76 = arith.addi %mul3A_74, %add3A_75 : i32
        %dma_start3A_77 = tpu.memref_slice %arg5[%add3A_76] : memref<1835008xf32, #tpu.memory_space<vmem_shared>> -> memref<4096xf32, #tpu.memory_space<vmem_shared>>
        %dma_start3A_78 = tpu.memref_slice %arg5[%add3A_76] : memref<1835008xf32, #tpu.memory_space<vmem_shared>> -> memref<4096xf32, #tpu.memory_space<vmem_shared>>
        tpu.enqueue_dma source(%run_scoped3A_0 : memref<4096xf32, #tpu.memory_space<vmem>>) target(%dma_start3A_78 : memref<4096xf32, #tpu.memory_space<vmem_shared>>) target_semaphore(%run_scoped3A_7 : memref<!tpu.dma_semaphore, #tpu.memory_space<semaphore_mem>>)
        %mul3A_79 = arith.constant 114688 : i32
        %mul3A_80 = arith.muli %arg1, %mul3A_79 : i32
        %add3A_81 = arith.constant 36864 : i32
        %add3A_82 = arith.addi %mul3A_80, %add3A_81 : i32
        %dma_start3A_83 = tpu.memref_slice %arg5[%add3A_82] : memref<1835008xf32, #tpu.memory_space<vmem_shared>> -> memref<4096xf32, #tpu.memory_space<vmem_shared>>
        %dma_start3A_84 = tpu.memref_slice %arg5[%add3A_82] : memref<1835008xf32, #tpu.memory_space<vmem_shared>> -> memref<4096xf32, #tpu.memory_space<vmem_shared>>
        tpu.enqueue_dma source(%run_scoped3A_0 : memref<4096xf32, #tpu.memory_space<vmem>>) target(%dma_start3A_84 : memref<4096xf32, #tpu.memory_space<vmem_shared>>) target_semaphore(%run_scoped3A_7 : memref<!tpu.dma_semaphore, #tpu.memory_space<semaphore_mem>>)
        %mul3A_85 = arith.constant 114688 : i32
        %mul3A_86 = arith.muli %arg1, %mul3A_85 : i32
        %add3A_87 = arith.constant 40960 : i32
        %add3A_88 = arith.addi %mul3A_86, %add3A_87 : i32
        %dma_start3A_89 = tpu.memref_slice %arg5[%add3A_88] : memref<1835008xf32, #tpu.memory_space<vmem_shared>> -> memref<4096xf32, #tpu.memory_space<vmem_shared>>
        %dma_start3A_90 = tpu.memref_slice %arg5[%add3A_88] : memref<1835008xf32, #tpu.memory_space<vmem_shared>> -> memref<4096xf32, #tpu.memory_space<vmem_shared>>
        tpu.enqueue_dma source(%run_scoped3A_0 : memref<4096xf32, #tpu.memory_space<vmem>>) target(%dma_start3A_90 : memref<4096xf32, #tpu.memory_space<vmem_shared>>) target_semaphore(%run_scoped3A_7 : memref<!tpu.dma_semaphore, #tpu.memory_space<semaphore_mem>>)
        %mul3A_91 = arith.constant 114688 : i32
        %mul3A_92 = arith.muli %arg1, %mul3A_91 : i32
        %add3A_93 = arith.constant 45056 : i32
        %add3A_94 = arith.addi %mul3A_92, %add3A_93 : i32
        %dma_start3A_95 = tpu.memref_slice %arg5[%add3A_94] : memref<1835008xf32, #tpu.memory_space<vmem_shared>> -> memref<4096xf32, #tpu.memory_space<vmem_shared>>
        %dma_start3A_96 = tpu.memref_slice %arg5[%add3A_94] : memref<1835008xf32, #tpu.memory_space<vmem_shared>> -> memref<4096xf32, #tpu.memory_space<vmem_shared>>
        tpu.enqueue_dma source(%run_scoped3A_0 : memref<4096xf32, #tpu.memory_space<vmem>>) target(%dma_start3A_96 : memref<4096xf32, #tpu.memory_space<vmem_shared>>) target_semaphore(%run_scoped3A_7 : memref<!tpu.dma_semaphore, #tpu.memory_space<semaphore_mem>>)
        %mul3A_97 = arith.constant 114688 : i32
        %mul3A_98 = arith.muli %arg1, %mul3A_97 : i32
        %add3A_99 = arith.constant 49152 : i32
        %add3A_100 = arith.addi %mul3A_98, %add3A_99 : i32
        %dma_start3A_101 = tpu.memref_slice %arg5[%add3A_100] : memref<1835008xf32, #tpu.memory_space<vmem_shared>> -> memref<4096xf32, #tpu.memory_space<vmem_shared>>
        %dma_start3A_102 = tpu.memref_slice %arg5[%add3A_100] : memref<1835008xf32, #tpu.memory_space<vmem_shared>> -> memref<4096xf32, #tpu.memory_space<vmem_shared>>
        tpu.enqueue_dma source(%run_scoped3A_0 : memref<4096xf32, #tpu.memory_space<vmem>>) target(%dma_start3A_102 : memref<4096xf32, #tpu.memory_space<vmem_shared>>) target_semaphore(%run_scoped3A_7 : memref<!tpu.dma_semaphore, #tpu.memory_space<semaphore_mem>>)
        %mul3A_103 = arith.constant 114688 : i32
        %mul3A_104 = arith.muli %arg1, %mul3A_103 : i32
        %add3A_105 = arith.constant 53248 : i32
        %add3A_106 = arith.addi %mul3A_104, %add3A_105 : i32
        %dma_start3A_107 = tpu.memref_slice %arg5[%add3A_106] : memref<1835008xf32, #tpu.memory_space<vmem_shared>> -> memref<4096xf32, #tpu.memory_space<vmem_shared>>
        %dma_start3A_108 = tpu.memref_slice %arg5[%add3A_106] : memref<1835008xf32, #tpu.memory_space<vmem_shared>> -> memref<4096xf32, #tpu.memory_space<vmem_shared>>
        tpu.enqueue_dma source(%run_scoped3A_0 : memref<4096xf32, #tpu.memory_space<vmem>>) target(%dma_start3A_108 : memref<4096xf32, #tpu.memory_space<vmem_shared>>) target_semaphore(%run_scoped3A_7 : memref<!tpu.dma_semaphore, #tpu.memory_space<semaphore_mem>>)
        %mul3A_109 = arith.constant 114688 : i32
        %mul3A_110 = arith.muli %arg1, %mul3A_109 : i32
        %add3A_111 = arith.constant 57344 : i32
        %add3A_112 = arith.addi %mul3A_110, %add3A_111 : i32
        %dma_start3A_113 = tpu.memref_slice %arg5[%add3A_112] : memref<1835008xf32, #tpu.memory_space<vmem_shared>> -> memref<4096xf32, #tpu.memory_space<vmem_shared>>
        %dma_start3A_114 = tpu.memref_slice %arg5[%add3A_112] : memref<1835008xf32, #tpu.memory_space<vmem_shared>> -> memref<4096xf32, #tpu.memory_space<vmem_shared>>
        tpu.enqueue_dma source(%run_scoped3A_0 : memref<4096xf32, #tpu.memory_space<vmem>>) target(%dma_start3A_114 : memref<4096xf32, #tpu.memory_space<vmem_shared>>) target_semaphore(%run_scoped3A_7 : memref<!tpu.dma_semaphore, #tpu.memory_space<semaphore_mem>>)
        %mul3A_115 = arith.constant 114688 : i32
        %mul3A_116 = arith.muli %arg1, %mul3A_115 : i32
        %add3A_117 = arith.constant 61440 : i32
        %add3A_118 = arith.addi %mul3A_116, %add3A_117 : i32
        %dma_start3A_119 = tpu.memref_slice %arg5[%add3A_118] : memref<1835008xf32, #tpu.memory_space<vmem_shared>> -> memref<4096xf32, #tpu.memory_space<vmem_shared>>
        %dma_start3A_120 = tpu.memref_slice %arg5[%add3A_118] : memref<1835008xf32, #tpu.memory_space<vmem_shared>> -> memref<4096xf32, #tpu.memory_space<vmem_shared>>
        tpu.enqueue_dma source(%run_scoped3A_0 : memref<4096xf32, #tpu.memory_space<vmem>>) target(%dma_start3A_120 : memref<4096xf32, #tpu.memory_space<vmem_shared>>) target_semaphore(%run_scoped3A_7 : memref<!tpu.dma_semaphore, #tpu.memory_space<semaphore_mem>>)
        %mul3A_121 = arith.constant 114688 : i32
        %mul3A_122 = arith.muli %arg1, %mul3A_121 : i32
        %add3A_123 = arith.constant 65536 : i32
        %add3A_124 = arith.addi %mul3A_122, %add3A_123 : i32
        %dma_start3A_125 = tpu.memref_slice %arg5[%add3A_124] : memref<1835008xf32, #tpu.memory_space<vmem_shared>> -> memref<4096xf32, #tpu.memory_space<vmem_shared>>
        %dma_start3A_126 = tpu.memref_slice %arg5[%add3A_124] : memref<1835008xf32, #tpu.memory_space<vmem_shared>> -> memref<4096xf32, #tpu.memory_space<vmem_shared>>
        tpu.enqueue_dma source(%run_scoped3A_0 : memref<4096xf32, #tpu.memory_space<vmem>>) target(%dma_start3A_126 : memref<4096xf32, #tpu.memory_space<vmem_shared>>) target_semaphore(%run_scoped3A_7 : memref<!tpu.dma_semaphore, #tpu.memory_space<semaphore_mem>>)
        %mul3A_127 = arith.constant 114688 : i32
        %mul3A_128 = arith.muli %arg1, %mul3A_127 : i32
        %add3A_129 = arith.constant 69632 : i32
        %add3A_130 = arith.addi %mul3A_128, %add3A_129 : i32
        %dma_start3A_131 = tpu.memref_slice %arg5[%add3A_130] : memref<1835008xf32, #tpu.memory_space<vmem_shared>> -> memref<4096xf32, #tpu.memory_space<vmem_shared>>
        %dma_start3A_132 = tpu.memref_slice %arg5[%add3A_130] : memref<1835008xf32, #tpu.memory_space<vmem_shared>> -> memref<4096xf32, #tpu.memory_space<vmem_shared>>
        tpu.enqueue_dma source(%run_scoped3A_0 : memref<4096xf32, #tpu.memory_space<vmem>>) target(%dma_start3A_132 : memref<4096xf32, #tpu.memory_space<vmem_shared>>) target_semaphore(%run_scoped3A_7 : memref<!tpu.dma_semaphore, #tpu.memory_space<semaphore_mem>>)
        %mul3A_133 = arith.constant 114688 : i32
        %mul3A_134 = arith.muli %arg1, %mul3A_133 : i32
        %add3A_135 = arith.constant 73728 : i32
        %add3A_136 = arith.addi %mul3A_134, %add3A_135 : i32
        %dma_start3A_137 = tpu.memref_slice %arg5[%add3A_136] : memref<1835008xf32, #tpu.memory_space<vmem_shared>> -> memref<4096xf32, #tpu.memory_space<vmem_shared>>
        %dma_start3A_138 = tpu.memref_slice %arg5[%add3A_136] : memref<1835008xf32, #tpu.memory_space<vmem_shared>> -> memref<4096xf32, #tpu.memory_space<vmem_shared>>
        tpu.enqueue_dma source(%run_scoped3A_0 : memref<4096xf32, #tpu.memory_space<vmem>>) target(%dma_start3A_138 : memref<4096xf32, #tpu.memory_space<vmem_shared>>) target_semaphore(%run_scoped3A_7 : memref<!tpu.dma_semaphore, #tpu.memory_space<semaphore_mem>>)
        %mul3A_139 = arith.constant 114688 : i32
        %mul3A_140 = arith.muli %arg1, %mul3A_139 : i32
        %add3A_141 = arith.constant 77824 : i32
        %add3A_142 = arith.addi %mul3A_140, %add3A_141 : i32
        %dma_start3A_143 = tpu.memref_slice %arg5[%add3A_142] : memref<1835008xf32, #tpu.memory_space<vmem_shared>> -> memref<4096xf32, #tpu.memory_space<vmem_shared>>
        %dma_start3A_144 = tpu.memref_slice %arg5[%add3A_142] : memref<1835008xf32, #tpu.memory_space<vmem_shared>> -> memref<4096xf32, #tpu.memory_space<vmem_shared>>
        tpu.enqueue_dma source(%run_scoped3A_0 : memref<4096xf32, #tpu.memory_space<vmem>>) target(%dma_start3A_144 : memref<4096xf32, #tpu.memory_space<vmem_shared>>) target_semaphore(%run_scoped3A_7 : memref<!tpu.dma_semaphore, #tpu.memory_space<semaphore_mem>>)
        %mul3A_145 = arith.constant 114688 : i32
        %mul3A_146 = arith.muli %arg1, %mul3A_145 : i32
        %add3A_147 = arith.constant 81920 : i32
        %add3A_148 = arith.addi %mul3A_146, %add3A_147 : i32
        %dma_start3A_149 = tpu.memref_slice %arg5[%add3A_148] : memref<1835008xf32, #tpu.memory_space<vmem_shared>> -> memref<4096xf32, #tpu.memory_space<vmem_shared>>
        %dma_start3A_150 = tpu.memref_slice %arg5[%add3A_148] : memref<1835008xf32, #tpu.memory_space<vmem_shared>> -> memref<4096xf32, #tpu.memory_space<vmem_shared>>
        tpu.enqueue_dma source(%run_scoped3A_0 : memref<4096xf32, #tpu.memory_space<vmem>>) target(%dma_start3A_150 : memref<4096xf32, #tpu.memory_space<vmem_shared>>) target_semaphore(%run_scoped3A_7 : memref<!tpu.dma_semaphore, #tpu.memory_space<semaphore_mem>>)
        %mul3A_151 = arith.constant 114688 : i32
        %mul3A_152 = arith.muli %arg1, %mul3A_151 : i32
        %add3A_153 = arith.constant 86016 : i32
        %add3A_154 = arith.addi %mul3A_152, %add3A_153 : i32
        %dma_start3A_155 = tpu.memref_slice %arg5[%add3A_154] : memref<1835008xf32, #tpu.memory_space<vmem_shared>> -> memref<4096xf32, #tpu.memory_space<vmem_shared>>
        %dma_start3A_156 = tpu.memref_slice %arg5[%add3A_154] : memref<1835008xf32, #tpu.memory_space<vmem_shared>> -> memref<4096xf32, #tpu.memory_space<vmem_shared>>
        tpu.enqueue_dma source(%run_scoped3A_0 : memref<4096xf32, #tpu.memory_space<vmem>>) target(%dma_start3A_156 : memref<4096xf32, #tpu.memory_space<vmem_shared>>) target_semaphore(%run_scoped3A_7 : memref<!tpu.dma_semaphore, #tpu.memory_space<semaphore_mem>>)
        %mul3A_157 = arith.constant 114688 : i32
        %mul3A_158 = arith.muli %arg1, %mul3A_157 : i32
        %add3A_159 = arith.constant 90112 : i32
        %add3A_160 = arith.addi %mul3A_158, %add3A_159 : i32
        %dma_start3A_161 = tpu.memref_slice %arg5[%add3A_160] : memref<1835008xf32, #tpu.memory_space<vmem_shared>> -> memref<4096xf32, #tpu.memory_space<vmem_shared>>
        %dma_start3A_162 = tpu.memref_slice %arg5[%add3A_160] : memref<1835008xf32, #tpu.memory_space<vmem_shared>> -> memref<4096xf32, #tpu.memory_space<vmem_shared>>
        tpu.enqueue_dma source(%run_scoped3A_0 : memref<4096xf32, #tpu.memory_space<vmem>>) target(%dma_start3A_162 : memref<4096xf32, #tpu.memory_space<vmem_shared>>) target_semaphore(%run_scoped3A_7 : memref<!tpu.dma_semaphore, #tpu.memory_space<semaphore_mem>>)
        %mul3A_163 = arith.constant 114688 : i32
        %mul3A_164 = arith.muli %arg1, %mul3A_163 : i32
        %add3A_165 = arith.constant 94208 : i32
        %add3A_166 = arith.addi %mul3A_164, %add3A_165 : i32
        %dma_start3A_167 = tpu.memref_slice %arg5[%add3A_166] : memref<1835008xf32, #tpu.memory_space<vmem_shared>> -> memref<4096xf32, #tpu.memory_space<vmem_shared>>
        %dma_start3A_168 = tpu.memref_slice %arg5[%add3A_166] : memref<1835008xf32, #tpu.memory_space<vmem_shared>> -> memref<4096xf32, #tpu.memory_space<vmem_shared>>
        tpu.enqueue_dma source(%run_scoped3A_0 : memref<4096xf32, #tpu.memory_space<vmem>>) target(%dma_start3A_168 : memref<4096xf32, #tpu.memory_space<vmem_shared>>) target_semaphore(%run_scoped3A_7 : memref<!tpu.dma_semaphore, #tpu.memory_space<semaphore_mem>>)
        %mul3A_169 = arith.constant 114688 : i32
        %mul3A_170 = arith.muli %arg1, %mul3A_169 : i32
        %add3A_171 = arith.constant 98304 : i32
        %add3A_172 = arith.addi %mul3A_170, %add3A_171 : i32
        %dma_start3A_173 = tpu.memref_slice %arg5[%add3A_172] : memref<1835008xf32, #tpu.memory_space<vmem_shared>> -> memref<4096xf32, #tpu.memory_space<vmem_shared>>
        %dma_start3A_174 = tpu.memref_slice %arg5[%add3A_172] : memref<1835008xf32, #tpu.memory_space<vmem_shared>> -> memref<4096xf32, #tpu.memory_space<vmem_shared>>
        tpu.enqueue_dma source(%run_scoped3A_0 : memref<4096xf32, #tpu.memory_space<vmem>>) target(%dma_start3A_174 : memref<4096xf32, #tpu.memory_space<vmem_shared>>) target_semaphore(%run_scoped3A_7 : memref<!tpu.dma_semaphore, #tpu.memory_space<semaphore_mem>>)
        %mul3A_175 = arith.constant 114688 : i32
        %mul3A_176 = arith.muli %arg1, %mul3A_175 : i32
        %add3A_177 = arith.constant 102400 : i32
        %add3A_178 = arith.addi %mul3A_176, %add3A_177 : i32
        %dma_start3A_179 = tpu.memref_slice %arg5[%add3A_178] : memref<1835008xf32, #tpu.memory_space<vmem_shared>> -> memref<4096xf32, #tpu.memory_space<vmem_shared>>
        %dma_start3A_180 = tpu.memref_slice %arg5[%add3A_178] : memref<1835008xf32, #tpu.memory_space<vmem_shared>> -> memref<4096xf32, #tpu.memory_space<vmem_shared>>
        tpu.enqueue_dma source(%run_scoped3A_0 : memref<4096xf32, #tpu.memory_space<vmem>>) target(%dma_start3A_180 : memref<4096xf32, #tpu.memory_space<vmem_shared>>) target_semaphore(%run_scoped3A_7 : memref<!tpu.dma_semaphore, #tpu.memory_space<semaphore_mem>>)
        %mul3A_181 = arith.constant 114688 : i32
        %mul3A_182 = arith.muli %arg1, %mul3A_181 : i32
        %add3A_183 = arith.constant 106496 : i32
        %add3A_184 = arith.addi %mul3A_182, %add3A_183 : i32
        %dma_start3A_185 = tpu.memref_slice %arg5[%add3A_184] : memref<1835008xf32, #tpu.memory_space<vmem_shared>> -> memref<4096xf32, #tpu.memory_space<vmem_shared>>
        %dma_start3A_186 = tpu.memref_slice %arg5[%add3A_184] : memref<1835008xf32, #tpu.memory_space<vmem_shared>> -> memref<4096xf32, #tpu.memory_space<vmem_shared>>
        tpu.enqueue_dma source(%run_scoped3A_0 : memref<4096xf32, #tpu.memory_space<vmem>>) target(%dma_start3A_186 : memref<4096xf32, #tpu.memory_space<vmem_shared>>) target_semaphore(%run_scoped3A_7 : memref<!tpu.dma_semaphore, #tpu.memory_space<semaphore_mem>>)
        %mul3A_187 = arith.constant 114688 : i32
        %mul3A_188 = arith.muli %arg1, %mul3A_187 : i32
        %add3A_189 = arith.constant 110592 : i32
        %add3A_190 = arith.addi %mul3A_188, %add3A_189 : i32
        %dma_start3A_191 = tpu.memref_slice %arg5[%add3A_190] : memref<1835008xf32, #tpu.memory_space<vmem_shared>> -> memref<4096xf32, #tpu.memory_space<vmem_shared>>
        %dma_start3A_192 = tpu.memref_slice %arg5[%add3A_190] : memref<1835008xf32, #tpu.memory_space<vmem_shared>> -> memref<4096xf32, #tpu.memory_space<vmem_shared>>
        tpu.enqueue_dma source(%run_scoped3A_0 : memref<4096xf32, #tpu.memory_space<vmem>>) target(%dma_start3A_192 : memref<4096xf32, #tpu.memory_space<vmem_shared>>) target_semaphore(%run_scoped3A_7 : memref<!tpu.dma_semaphore, #tpu.memory_space<semaphore_mem>>)
        %mul3A_193 = arith.constant 114688 : i32
        %mul3A_194 = arith.muli %arg1, %mul3A_193 : i32
        %add3A_195 = arith.constant 0 : i32
        %add3A_196 = arith.addi %mul3A_194, %add3A_195 : i32
        %dma_wait3A = tpu.memref_slice %arg5[%add3A_196] : memref<1835008xf32, #tpu.memory_space<vmem_shared>> -> memref<4096xf32, #tpu.memory_space<vmem_shared>>
        %dma_wait3A_197 = tpu.memref_slice %arg5[%add3A_196] : memref<1835008xf32, #tpu.memory_space<vmem_shared>> -> memref<4096xf32, #tpu.memory_space<vmem_shared>>
        tpu.wait_dma2 semaphore(%run_scoped3A_7 : memref<!tpu.dma_semaphore, #tpu.memory_space<semaphore_mem>>) src(%run_scoped3A_0 : memref<4096xf32, #tpu.memory_space<vmem>>) dst(%dma_wait3A_197 : memref<4096xf32, #tpu.memory_space<vmem_shared>>)
        %mul3A_198 = arith.constant 114688 : i32
        %mul3A_199 = arith.muli %arg1, %mul3A_198 : i32
        %add3A_200 = arith.constant 4096 : i32
        %add3A_201 = arith.addi %mul3A_199, %add3A_200 : i32
        %dma_wait3A_202 = tpu.memref_slice %arg5[%add3A_201] : memref<1835008xf32, #tpu.memory_space<vmem_shared>> -> memref<4096xf32, #tpu.memory_space<vmem_shared>>
        %dma_wait3A_203 = tpu.memref_slice %arg5[%add3A_201] : memref<1835008xf32, #tpu.memory_space<vmem_shared>> -> memref<4096xf32, #tpu.memory_space<vmem_shared>>
        tpu.wait_dma2 semaphore(%run_scoped3A_7 : memref<!tpu.dma_semaphore, #tpu.memory_space<semaphore_mem>>) src(%run_scoped3A_0 : memref<4096xf32, #tpu.memory_space<vmem>>) dst(%dma_wait3A_203 : memref<4096xf32, #tpu.memory_space<vmem_shared>>)
        %mul3A_204 = arith.constant 114688 : i32
        %mul3A_205 = arith.muli %arg1, %mul3A_204 : i32
        %add3A_206 = arith.constant 8192 : i32
        %add3A_207 = arith.addi %mul3A_205, %add3A_206 : i32
        %dma_wait3A_208 = tpu.memref_slice %arg5[%add3A_207] : memref<1835008xf32, #tpu.memory_space<vmem_shared>> -> memref<4096xf32, #tpu.memory_space<vmem_shared>>
        %dma_wait3A_209 = tpu.memref_slice %arg5[%add3A_207] : memref<1835008xf32, #tpu.memory_space<vmem_shared>> -> memref<4096xf32, #tpu.memory_space<vmem_shared>>
        tpu.wait_dma2 semaphore(%run_scoped3A_7 : memref<!tpu.dma_semaphore, #tpu.memory_space<semaphore_mem>>) src(%run_scoped3A_0 : memref<4096xf32, #tpu.memory_space<vmem>>) dst(%dma_wait3A_209 : memref<4096xf32, #tpu.memory_space<vmem_shared>>)
        %mul3A_210 = arith.constant 114688 : i32
        %mul3A_211 = arith.muli %arg1, %mul3A_210 : i32
        %add3A_212 = arith.constant 12288 : i32
        %add3A_213 = arith.addi %mul3A_211, %add3A_212 : i32
        %dma_wait3A_214 = tpu.memref_slice %arg5[%add3A_213] : memref<1835008xf32, #tpu.memory_space<vmem_shared>> -> memref<4096xf32, #tpu.memory_space<vmem_shared>>
        %dma_wait3A_215 = tpu.memref_slice %arg5[%add3A_213] : memref<1835008xf32, #tpu.memory_space<vmem_shared>> -> memref<4096xf32, #tpu.memory_space<vmem_shared>>
        tpu.wait_dma2 semaphore(%run_scoped3A_7 : memref<!tpu.dma_semaphore, #tpu.memory_space<semaphore_mem>>) src(%run_scoped3A_0 : memref<4096xf32, #tpu.memory_space<vmem>>) dst(%dma_wait3A_215 : memref<4096xf32, #tpu.memory_space<vmem_shared>>)
        %mul3A_216 = arith.constant 114688 : i32
        %mul3A_217 = arith.muli %arg1, %mul3A_216 : i32
        %add3A_218 = arith.constant 16384 : i32
        %add3A_219 = arith.addi %mul3A_217, %add3A_218 : i32
        %dma_wait3A_220 = tpu.memref_slice %arg5[%add3A_219] : memref<1835008xf32, #tpu.memory_space<vmem_shared>> -> memref<4096xf32, #tpu.memory_space<vmem_shared>>
        %dma_wait3A_221 = tpu.memref_slice %arg5[%add3A_219] : memref<1835008xf32, #tpu.memory_space<vmem_shared>> -> memref<4096xf32, #tpu.memory_space<vmem_shared>>
        tpu.wait_dma2 semaphore(%run_scoped3A_7 : memref<!tpu.dma_semaphore, #tpu.memory_space<semaphore_mem>>) src(%run_scoped3A_0 : memref<4096xf32, #tpu.memory_space<vmem>>) dst(%dma_wait3A_221 : memref<4096xf32, #tpu.memory_space<vmem_shared>>)
        %mul3A_222 = arith.constant 114688 : i32
        %mul3A_223 = arith.muli %arg1, %mul3A_222 : i32
        %add3A_224 = arith.constant 20480 : i32
        %add3A_225 = arith.addi %mul3A_223, %add3A_224 : i32
        %dma_wait3A_226 = tpu.memref_slice %arg5[%add3A_225] : memref<1835008xf32, #tpu.memory_space<vmem_shared>> -> memref<4096xf32, #tpu.memory_space<vmem_shared>>
        %dma_wait3A_227 = tpu.memref_slice %arg5[%add3A_225] : memref<1835008xf32, #tpu.memory_space<vmem_shared>> -> memref<4096xf32, #tpu.memory_space<vmem_shared>>
        tpu.wait_dma2 semaphore(%run_scoped3A_7 : memref<!tpu.dma_semaphore, #tpu.memory_space<semaphore_mem>>) src(%run_scoped3A_0 : memref<4096xf32, #tpu.memory_space<vmem>>) dst(%dma_wait3A_227 : memref<4096xf32, #tpu.memory_space<vmem_shared>>)
        %mul3A_228 = arith.constant 114688 : i32
        %mul3A_229 = arith.muli %arg1, %mul3A_228 : i32
        %add3A_230 = arith.constant 24576 : i32
        %add3A_231 = arith.addi %mul3A_229, %add3A_230 : i32
        %dma_wait3A_232 = tpu.memref_slice %arg5[%add3A_231] : memref<1835008xf32, #tpu.memory_space<vmem_shared>> -> memref<4096xf32, #tpu.memory_space<vmem_shared>>
        %dma_wait3A_233 = tpu.memref_slice %arg5[%add3A_231] : memref<1835008xf32, #tpu.memory_space<vmem_shared>> -> memref<4096xf32, #tpu.memory_space<vmem_shared>>
        tpu.wait_dma2 semaphore(%run_scoped3A_7 : memref<!tpu.dma_semaphore, #tpu.memory_space<semaphore_mem>>) src(%run_scoped3A_0 : memref<4096xf32, #tpu.memory_space<vmem>>) dst(%dma_wait3A_233 : memref<4096xf32, #tpu.memory_space<vmem_shared>>)
        %mul3A_234 = arith.constant 114688 : i32
        %mul3A_235 = arith.muli %arg1, %mul3A_234 : i32
        %add3A_236 = arith.constant 28672 : i32
        %add3A_237 = arith.addi %mul3A_235, %add3A_236 : i32
        %dma_wait3A_238 = tpu.memref_slice %arg5[%add3A_237] : memref<1835008xf32, #tpu.memory_space<vmem_shared>> -> memref<4096xf32, #tpu.memory_space<vmem_shared>>
        %dma_wait3A_239 = tpu.memref_slice %arg5[%add3A_237] : memref<1835008xf32, #tpu.memory_space<vmem_shared>> -> memref<4096xf32, #tpu.memory_space<vmem_shared>>
        tpu.wait_dma2 semaphore(%run_scoped3A_7 : memref<!tpu.dma_semaphore, #tpu.memory_space<semaphore_mem>>) src(%run_scoped3A_0 : memref<4096xf32, #tpu.memory_space<vmem>>) dst(%dma_wait3A_239 : memref<4096xf32, #tpu.memory_space<vmem_shared>>)
        %mul3A_240 = arith.constant 114688 : i32
        %mul3A_241 = arith.muli %arg1, %mul3A_240 : i32
        %add3A_242 = arith.constant 32768 : i32
        %add3A_243 = arith.addi %mul3A_241, %add3A_242 : i32
        %dma_wait3A_244 = tpu.memref_slice %arg5[%add3A_243] : memref<1835008xf32, #tpu.memory_space<vmem_shared>> -> memref<4096xf32, #tpu.memory_space<vmem_shared>>
        %dma_wait3A_245 = tpu.memref_slice %arg5[%add3A_243] : memref<1835008xf32, #tpu.memory_space<vmem_shared>> -> memref<4096xf32, #tpu.memory_space<vmem_shared>>
        tpu.wait_dma2 semaphore(%run_scoped3A_7 : memref<!tpu.dma_semaphore, #tpu.memory_space<semaphore_mem>>) src(%run_scoped3A_0 : memref<4096xf32, #tpu.memory_space<vmem>>) dst(%dma_wait3A_245 : memref<4096xf32, #tpu.memory_space<vmem_shared>>)
        %mul3A_246 = arith.constant 114688 : i32
        %mul3A_247 = arith.muli %arg1, %mul3A_246 : i32
        %add3A_248 = arith.constant 36864 : i32
        %add3A_249 = arith.addi %mul3A_247, %add3A_248 : i32
        %dma_wait3A_250 = tpu.memref_slice %arg5[%add3A_249] : memref<1835008xf32, #tpu.memory_space<vmem_shared>> -> memref<4096xf32, #tpu.memory_space<vmem_shared>>
        %dma_wait3A_251 = tpu.memref_slice %arg5[%add3A_249] : memref<1835008xf32, #tpu.memory_space<vmem_shared>> -> memref<4096xf32, #tpu.memory_space<vmem_shared>>
        tpu.wait_dma2 semaphore(%run_scoped3A_7 : memref<!tpu.dma_semaphore, #tpu.memory_space<semaphore_mem>>) src(%run_scoped3A_0 : memref<4096xf32, #tpu.memory_space<vmem>>) dst(%dma_wait3A_251 : memref<4096xf32, #tpu.memory_space<vmem_shared>>)
        %mul3A_252 = arith.constant 114688 : i32
        %mul3A_253 = arith.muli %arg1, %mul3A_252 : i32
        %add3A_254 = arith.constant 40960 : i32
        %add3A_255 = arith.addi %mul3A_253, %add3A_254 : i32
        %dma_wait3A_256 = tpu.memref_slice %arg5[%add3A_255] : memref<1835008xf32, #tpu.memory_space<vmem_shared>> -> memref<4096xf32, #tpu.memory_space<vmem_shared>>
        %dma_wait3A_257 = tpu.memref_slice %arg5[%add3A_255] : memref<1835008xf32, #tpu.memory_space<vmem_shared>> -> memref<4096xf32, #tpu.memory_space<vmem_shared>>
        tpu.wait_dma2 semaphore(%run_scoped3A_7 : memref<!tpu.dma_semaphore, #tpu.memory_space<semaphore_mem>>) src(%run_scoped3A_0 : memref<4096xf32, #tpu.memory_space<vmem>>) dst(%dma_wait3A_257 : memref<4096xf32, #tpu.memory_space<vmem_shared>>)
        %mul3A_258 = arith.constant 114688 : i32
        %mul3A_259 = arith.muli %arg1, %mul3A_258 : i32
        %add3A_260 = arith.constant 45056 : i32
        %add3A_261 = arith.addi %mul3A_259, %add3A_260 : i32
        %dma_wait3A_262 = tpu.memref_slice %arg5[%add3A_261] : memref<1835008xf32, #tpu.memory_space<vmem_shared>> -> memref<4096xf32, #tpu.memory_space<vmem_shared>>
        %dma_wait3A_263 = tpu.memref_slice %arg5[%add3A_261] : memref<1835008xf32, #tpu.memory_space<vmem_shared>> -> memref<4096xf32, #tpu.memory_space<vmem_shared>>
        tpu.wait_dma2 semaphore(%run_scoped3A_7 : memref<!tpu.dma_semaphore, #tpu.memory_space<semaphore_mem>>) src(%run_scoped3A_0 : memref<4096xf32, #tpu.memory_space<vmem>>) dst(%dma_wait3A_263 : memref<4096xf32, #tpu.memory_space<vmem_shared>>)
        %mul3A_264 = arith.constant 114688 : i32
        %mul3A_265 = arith.muli %arg1, %mul3A_264 : i32
        %add3A_266 = arith.constant 49152 : i32
        %add3A_267 = arith.addi %mul3A_265, %add3A_266 : i32
        %dma_wait3A_268 = tpu.memref_slice %arg5[%add3A_267] : memref<1835008xf32, #tpu.memory_space<vmem_shared>> -> memref<4096xf32, #tpu.memory_space<vmem_shared>>
        %dma_wait3A_269 = tpu.memref_slice %arg5[%add3A_267] : memref<1835008xf32, #tpu.memory_space<vmem_shared>> -> memref<4096xf32, #tpu.memory_space<vmem_shared>>
        tpu.wait_dma2 semaphore(%run_scoped3A_7 : memref<!tpu.dma_semaphore, #tpu.memory_space<semaphore_mem>>) src(%run_scoped3A_0 : memref<4096xf32, #tpu.memory_space<vmem>>) dst(%dma_wait3A_269 : memref<4096xf32, #tpu.memory_space<vmem_shared>>)
        %mul3A_270 = arith.constant 114688 : i32
        %mul3A_271 = arith.muli %arg1, %mul3A_270 : i32
        %add3A_272 = arith.constant 53248 : i32
        %add3A_273 = arith.addi %mul3A_271, %add3A_272 : i32
        %dma_wait3A_274 = tpu.memref_slice %arg5[%add3A_273] : memref<1835008xf32, #tpu.memory_space<vmem_shared>> -> memref<4096xf32, #tpu.memory_space<vmem_shared>>
        %dma_wait3A_275 = tpu.memref_slice %arg5[%add3A_273] : memref<1835008xf32, #tpu.memory_space<vmem_shared>> -> memref<4096xf32, #tpu.memory_space<vmem_shared>>
        tpu.wait_dma2 semaphore(%run_scoped3A_7 : memref<!tpu.dma_semaphore, #tpu.memory_space<semaphore_mem>>) src(%run_scoped3A_0 : memref<4096xf32, #tpu.memory_space<vmem>>) dst(%dma_wait3A_275 : memref<4096xf32, #tpu.memory_space<vmem_shared>>)
        %mul3A_276 = arith.constant 114688 : i32
        %mul3A_277 = arith.muli %arg1, %mul3A_276 : i32
        %add3A_278 = arith.constant 57344 : i32
        %add3A_279 = arith.addi %mul3A_277, %add3A_278 : i32
        %dma_wait3A_280 = tpu.memref_slice %arg5[%add3A_279] : memref<1835008xf32, #tpu.memory_space<vmem_shared>> -> memref<4096xf32, #tpu.memory_space<vmem_shared>>
        %dma_wait3A_281 = tpu.memref_slice %arg5[%add3A_279] : memref<1835008xf32, #tpu.memory_space<vmem_shared>> -> memref<4096xf32, #tpu.memory_space<vmem_shared>>
        tpu.wait_dma2 semaphore(%run_scoped3A_7 : memref<!tpu.dma_semaphore, #tpu.memory_space<semaphore_mem>>) src(%run_scoped3A_0 : memref<4096xf32, #tpu.memory_space<vmem>>) dst(%dma_wait3A_281 : memref<4096xf32, #tpu.memory_space<vmem_shared>>)
        %mul3A_282 = arith.constant 114688 : i32
        %mul3A_283 = arith.muli %arg1, %mul3A_282 : i32
        %add3A_284 = arith.constant 61440 : i32
        %add3A_285 = arith.addi %mul3A_283, %add3A_284 : i32
        %dma_wait3A_286 = tpu.memref_slice %arg5[%add3A_285] : memref<1835008xf32, #tpu.memory_space<vmem_shared>> -> memref<4096xf32, #tpu.memory_space<vmem_shared>>
        %dma_wait3A_287 = tpu.memref_slice %arg5[%add3A_285] : memref<1835008xf32, #tpu.memory_space<vmem_shared>> -> memref<4096xf32, #tpu.memory_space<vmem_shared>>
        tpu.wait_dma2 semaphore(%run_scoped3A_7 : memref<!tpu.dma_semaphore, #tpu.memory_space<semaphore_mem>>) src(%run_scoped3A_0 : memref<4096xf32, #tpu.memory_space<vmem>>) dst(%dma_wait3A_287 : memref<4096xf32, #tpu.memory_space<vmem_shared>>)
        %mul3A_288 = arith.constant 114688 : i32
        %mul3A_289 = arith.muli %arg1, %mul3A_288 : i32
        %add3A_290 = arith.constant 65536 : i32
        %add3A_291 = arith.addi %mul3A_289, %add3A_290 : i32
        %dma_wait3A_292 = tpu.memref_slice %arg5[%add3A_291] : memref<1835008xf32, #tpu.memory_space<vmem_shared>> -> memref<4096xf32, #tpu.memory_space<vmem_shared>>
        %dma_wait3A_293 = tpu.memref_slice %arg5[%add3A_291] : memref<1835008xf32, #tpu.memory_space<vmem_shared>> -> memref<4096xf32, #tpu.memory_space<vmem_shared>>
        tpu.wait_dma2 semaphore(%run_scoped3A_7 : memref<!tpu.dma_semaphore, #tpu.memory_space<semaphore_mem>>) src(%run_scoped3A_0 : memref<4096xf32, #tpu.memory_space<vmem>>) dst(%dma_wait3A_293 : memref<4096xf32, #tpu.memory_space<vmem_shared>>)
        %mul3A_294 = arith.constant 114688 : i32
        %mul3A_295 = arith.muli %arg1, %mul3A_294 : i32
        %add3A_296 = arith.constant 69632 : i32
        %add3A_297 = arith.addi %mul3A_295, %add3A_296 : i32
        %dma_wait3A_298 = tpu.memref_slice %arg5[%add3A_297] : memref<1835008xf32, #tpu.memory_space<vmem_shared>> -> memref<4096xf32, #tpu.memory_space<vmem_shared>>
        %dma_wait3A_299 = tpu.memref_slice %arg5[%add3A_297] : memref<1835008xf32, #tpu.memory_space<vmem_shared>> -> memref<4096xf32, #tpu.memory_space<vmem_shared>>
        tpu.wait_dma2 semaphore(%run_scoped3A_7 : memref<!tpu.dma_semaphore, #tpu.memory_space<semaphore_mem>>) src(%run_scoped3A_0 : memref<4096xf32, #tpu.memory_space<vmem>>) dst(%dma_wait3A_299 : memref<4096xf32, #tpu.memory_space<vmem_shared>>)
        %mul3A_300 = arith.constant 114688 : i32
        %mul3A_301 = arith.muli %arg1, %mul3A_300 : i32
        %add3A_302 = arith.constant 73728 : i32
        %add3A_303 = arith.addi %mul3A_301, %add3A_302 : i32
        %dma_wait3A_304 = tpu.memref_slice %arg5[%add3A_303] : memref<1835008xf32, #tpu.memory_space<vmem_shared>> -> memref<4096xf32, #tpu.memory_space<vmem_shared>>
        %dma_wait3A_305 = tpu.memref_slice %arg5[%add3A_303] : memref<1835008xf32, #tpu.memory_space<vmem_shared>> -> memref<4096xf32, #tpu.memory_space<vmem_shared>>
        tpu.wait_dma2 semaphore(%run_scoped3A_7 : memref<!tpu.dma_semaphore, #tpu.memory_space<semaphore_mem>>) src(%run_scoped3A_0 : memref<4096xf32, #tpu.memory_space<vmem>>) dst(%dma_wait3A_305 : memref<4096xf32, #tpu.memory_space<vmem_shared>>)
        %mul3A_306 = arith.constant 114688 : i32
        %mul3A_307 = arith.muli %arg1, %mul3A_306 : i32
        %add3A_308 = arith.constant 77824 : i32
        %add3A_309 = arith.addi %mul3A_307, %add3A_308 : i32
        %dma_wait3A_310 = tpu.memref_slice %arg5[%add3A_309] : memref<1835008xf32, #tpu.memory_space<vmem_shared>> -> memref<4096xf32, #tpu.memory_space<vmem_shared>>
        %dma_wait3A_311 = tpu.memref_slice %arg5[%add3A_309] : memref<1835008xf32, #tpu.memory_space<vmem_shared>> -> memref<4096xf32, #tpu.memory_space<vmem_shared>>
        tpu.wait_dma2 semaphore(%run_scoped3A_7 : memref<!tpu.dma_semaphore, #tpu.memory_space<semaphore_mem>>) src(%run_scoped3A_0 : memref<4096xf32, #tpu.memory_space<vmem>>) dst(%dma_wait3A_311 : memref<4096xf32, #tpu.memory_space<vmem_shared>>)
        %mul3A_312 = arith.constant 114688 : i32
        %mul3A_313 = arith.muli %arg1, %mul3A_312 : i32
        %add3A_314 = arith.constant 81920 : i32
        %add3A_315 = arith.addi %mul3A_313, %add3A_314 : i32
        %dma_wait3A_316 = tpu.memref_slice %arg5[%add3A_315] : memref<1835008xf32, #tpu.memory_space<vmem_shared>> -> memref<4096xf32, #tpu.memory_space<vmem_shared>>
        %dma_wait3A_317 = tpu.memref_slice %arg5[%add3A_315] : memref<1835008xf32, #tpu.memory_space<vmem_shared>> -> memref<4096xf32, #tpu.memory_space<vmem_shared>>
        tpu.wait_dma2 semaphore(%run_scoped3A_7 : memref<!tpu.dma_semaphore, #tpu.memory_space<semaphore_mem>>) src(%run_scoped3A_0 : memref<4096xf32, #tpu.memory_space<vmem>>) dst(%dma_wait3A_317 : memref<4096xf32, #tpu.memory_space<vmem_shared>>)
        %mul3A_318 = arith.constant 114688 : i32
        %mul3A_319 = arith.muli %arg1, %mul3A_318 : i32
        %add3A_320 = arith.constant 86016 : i32
        %add3A_321 = arith.addi %mul3A_319, %add3A_320 : i32
        %dma_wait3A_322 = tpu.memref_slice %arg5[%add3A_321] : memref<1835008xf32, #tpu.memory_space<vmem_shared>> -> memref<4096xf32, #tpu.memory_space<vmem_shared>>
        %dma_wait3A_323 = tpu.memref_slice %arg5[%add3A_321] : memref<1835008xf32, #tpu.memory_space<vmem_shared>> -> memref<4096xf32, #tpu.memory_space<vmem_shared>>
        tpu.wait_dma2 semaphore(%run_scoped3A_7 : memref<!tpu.dma_semaphore, #tpu.memory_space<semaphore_mem>>) src(%run_scoped3A_0 : memref<4096xf32, #tpu.memory_space<vmem>>) dst(%dma_wait3A_323 : memref<4096xf32, #tpu.memory_space<vmem_shared>>)
        %mul3A_324 = arith.constant 114688 : i32
        %mul3A_325 = arith.muli %arg1, %mul3A_324 : i32
        %add3A_326 = arith.constant 90112 : i32
        %add3A_327 = arith.addi %mul3A_325, %add3A_326 : i32
        %dma_wait3A_328 = tpu.memref_slice %arg5[%add3A_327] : memref<1835008xf32, #tpu.memory_space<vmem_shared>> -> memref<4096xf32, #tpu.memory_space<vmem_shared>>
        %dma_wait3A_329 = tpu.memref_slice %arg5[%add3A_327] : memref<1835008xf32, #tpu.memory_space<vmem_shared>> -> memref<4096xf32, #tpu.memory_space<vmem_shared>>
        tpu.wait_dma2 semaphore(%run_scoped3A_7 : memref<!tpu.dma_semaphore, #tpu.memory_space<semaphore_mem>>) src(%run_scoped3A_0 : memref<4096xf32, #tpu.memory_space<vmem>>) dst(%dma_wait3A_329 : memref<4096xf32, #tpu.memory_space<vmem_shared>>)
        %mul3A_330 = arith.constant 114688 : i32
        %mul3A_331 = arith.muli %arg1, %mul3A_330 : i32
        %add3A_332 = arith.constant 94208 : i32
        %add3A_333 = arith.addi %mul3A_331, %add3A_332 : i32
        %dma_wait3A_334 = tpu.memref_slice %arg5[%add3A_333] : memref<1835008xf32, #tpu.memory_space<vmem_shared>> -> memref<4096xf32, #tpu.memory_space<vmem_shared>>
        %dma_wait3A_335 = tpu.memref_slice %arg5[%add3A_333] : memref<1835008xf32, #tpu.memory_space<vmem_shared>> -> memref<4096xf32, #tpu.memory_space<vmem_shared>>
        tpu.wait_dma2 semaphore(%run_scoped3A_7 : memref<!tpu.dma_semaphore, #tpu.memory_space<semaphore_mem>>) src(%run_scoped3A_0 : memref<4096xf32, #tpu.memory_space<vmem>>) dst(%dma_wait3A_335 : memref<4096xf32, #tpu.memory_space<vmem_shared>>)
        %mul3A_336 = arith.constant 114688 : i32
        %mul3A_337 = arith.muli %arg1, %mul3A_336 : i32
        %add3A_338 = arith.constant 98304 : i32
        %add3A_339 = arith.addi %mul3A_337, %add3A_338 : i32
        %dma_wait3A_340 = tpu.memref_slice %arg5[%add3A_339] : memref<1835008xf32, #tpu.memory_space<vmem_shared>> -> memref<4096xf32, #tpu.memory_space<vmem_shared>>
        %dma_wait3A_341 = tpu.memref_slice %arg5[%add3A_339] : memref<1835008xf32, #tpu.memory_space<vmem_shared>> -> memref<4096xf32, #tpu.memory_space<vmem_shared>>
        tpu.wait_dma2 semaphore(%run_scoped3A_7 : memref<!tpu.dma_semaphore, #tpu.memory_space<semaphore_mem>>) src(%run_scoped3A_0 : memref<4096xf32, #tpu.memory_space<vmem>>) dst(%dma_wait3A_341 : memref<4096xf32, #tpu.memory_space<vmem_shared>>)
        %mul3A_342 = arith.constant 114688 : i32
        %mul3A_343 = arith.muli %arg1, %mul3A_342 : i32
        %add3A_344 = arith.constant 102400 : i32
        %add3A_345 = arith.addi %mul3A_343, %add3A_344 : i32
        %dma_wait3A_346 = tpu.memref_slice %arg5[%add3A_345] : memref<1835008xf32, #tpu.memory_space<vmem_shared>> -> memref<4096xf32, #tpu.memory_space<vmem_shared>>
        %dma_wait3A_347 = tpu.memref_slice %arg5[%add3A_345] : memref<1835008xf32, #tpu.memory_space<vmem_shared>> -> memref<4096xf32, #tpu.memory_space<vmem_shared>>
        tpu.wait_dma2 semaphore(%run_scoped3A_7 : memref<!tpu.dma_semaphore, #tpu.memory_space<semaphore_mem>>) src(%run_scoped3A_0 : memref<4096xf32, #tpu.memory_space<vmem>>) dst(%dma_wait3A_347 : memref<4096xf32, #tpu.memory_space<vmem_shared>>)
        %mul3A_348 = arith.constant 114688 : i32
        %mul3A_349 = arith.muli %arg1, %mul3A_348 : i32
        %add3A_350 = arith.constant 106496 : i32
        %add3A_351 = arith.addi %mul3A_349, %add3A_350 : i32
        %dma_wait3A_352 = tpu.memref_slice %arg5[%add3A_351] : memref<1835008xf32, #tpu.memory_space<vmem_shared>> -> memref<4096xf32, #tpu.memory_space<vmem_shared>>
        %dma_wait3A_353 = tpu.memref_slice %arg5[%add3A_351] : memref<1835008xf32, #tpu.memory_space<vmem_shared>> -> memref<4096xf32, #tpu.memory_space<vmem_shared>>
        tpu.wait_dma2 semaphore(%run_scoped3A_7 : memref<!tpu.dma_semaphore, #tpu.memory_space<semaphore_mem>>) src(%run_scoped3A_0 : memref<4096xf32, #tpu.memory_space<vmem>>) dst(%dma_wait3A_353 : memref<4096xf32, #tpu.memory_space<vmem_shared>>)
        %mul3A_354 = arith.constant 114688 : i32
        %mul3A_355 = arith.muli %arg1, %mul3A_354 : i32
        %add3A_356 = arith.constant 110592 : i32
        %add3A_357 = arith.addi %mul3A_355, %add3A_356 : i32
        %dma_wait3A_358 = tpu.memref_slice %arg5[%add3A_357] : memref<1835008xf32, #tpu.memory_space<vmem_shared>> -> memref<4096xf32, #tpu.memory_space<vmem_shared>>
        %dma_wait3A_359 = tpu.memref_slice %arg5[%add3A_357] : memref<1835008xf32, #tpu.memory_space<vmem_shared>> -> memref<4096xf32, #tpu.memory_space<vmem_shared>>
        tpu.wait_dma2 semaphore(%run_scoped3A_7 : memref<!tpu.dma_semaphore, #tpu.memory_space<semaphore_mem>>) src(%run_scoped3A_0 : memref<4096xf32, #tpu.memory_space<vmem>>) dst(%dma_wait3A_359 : memref<4096xf32, #tpu.memory_space<vmem_shared>>)
        %barrier3A = arith.constant 0 : index
        tpu.barrier barrier_id(%barrier3A)
        %mul3A_360 = arith.constant 393216 : i32
        %mul3A_361 = arith.muli %arg1, %mul3A_360 : i32
        %add3A_362 = arith.constant 0 : i32
        %add3A_363 = arith.addi %mul3A_361, %add3A_362 : i32
        %dma_start3A_364 = tpu.memref_slice %arg2[%add3A_363] : memref<6291456xi32, #tpu.memory_space<hbm>> -> memref<4096xi32, #tpu.memory_space<hbm>>
        %dma_start3A_365 = tpu.memref_slice %arg2[%add3A_363] : memref<6291456xi32, #tpu.memory_space<hbm>> -> memref<4096xi32, #tpu.memory_space<hbm>>
        tpu.enqueue_dma source(%dma_start3A_365 : memref<4096xi32, #tpu.memory_space<hbm>>) target(%run_scoped3A : memref<4096xi32, #tpu.memory_space<vmem>>) target_semaphore(%run_scoped3A_3 : memref<!tpu.dma_semaphore, #tpu.memory_space<semaphore_mem>>)
        %dma_start3A_366 = tpu.memref_slice %arg3[%add3A_363] : memref<6291456xf32, #tpu.memory_space<hbm>> -> memref<4096xf32, #tpu.memory_space<hbm>>
        %dma_start3A_367 = tpu.memref_slice %arg3[%add3A_363] : memref<6291456xf32, #tpu.memory_space<hbm>> -> memref<4096xf32, #tpu.memory_space<hbm>>
        tpu.enqueue_dma source(%dma_start3A_367 : memref<4096xf32, #tpu.memory_space<hbm>>) target(%run_scoped3A_0 : memref<4096xf32, #tpu.memory_space<vmem>>) target_semaphore(%run_scoped3A_3 : memref<!tpu.dma_semaphore, #tpu.memory_space<semaphore_mem>>)
        %mul3A_368 = arith.constant 393216 : i32
        %mul3A_369 = arith.muli %arg1, %mul3A_368 : i32
        %add3A_370 = arith.constant 4096 : i32
        %add3A_371 = arith.addi %mul3A_369, %add3A_370 : i32
        %dma_start3A_372 = tpu.memref_slice %arg2[%add3A_371] : memref<6291456xi32, #tpu.memory_space<hbm>> -> memref<4096xi32, #tpu.memory_space<hbm>>
        %dma_start3A_373 = tpu.memref_slice %arg2[%add3A_371] : memref<6291456xi32, #tpu.memory_space<hbm>> -> memref<4096xi32, #tpu.memory_space<hbm>>
        tpu.enqueue_dma source(%dma_start3A_373 : memref<4096xi32, #tpu.memory_space<hbm>>) target(%run_scoped3A_1 : memref<4096xi32, #tpu.memory_space<vmem>>) target_semaphore(%run_scoped3A_4 : memref<!tpu.dma_semaphore, #tpu.memory_space<semaphore_mem>>)
        %dma_start3A_374 = tpu.memref_slice %arg3[%add3A_371] : memref<6291456xf32, #tpu.memory_space<hbm>> -> memref<4096xf32, #tpu.memory_space<hbm>>
        %dma_start3A_375 = tpu.memref_slice %arg3[%add3A_371] : memref<6291456xf32, #tpu.memory_space<hbm>> -> memref<4096xf32, #tpu.memory_space<hbm>>
        tpu.enqueue_dma source(%dma_start3A_375 : memref<4096xf32, #tpu.memory_space<hbm>>) target(%run_scoped3A_2 : memref<4096xf32, #tpu.memory_space<vmem>>) target_semaphore(%run_scoped3A_4 : memref<!tpu.dma_semaphore, #tpu.memory_space<semaphore_mem>>)
        %scan3A_376 = arith.constant 0 : i32
        %scan3A_377 = arith.constant 0 : i32
        %scan3A_378 = arith.constant 48 : i32
        %scan3A_379 = arith.addi %scan3A_377, %scan3A_378 : i32
        %scan3A_380 = arith.constant 1 : i32
        scf.for %scan3A_398 = %scan3A_377 to %scan3A_379 step %scan3A_380  : i32 {
          %mul3A_399 = arith.constant 2 : i32
          %mul3A_400 = arith.muli %mul3A_399, %scan3A_398 : i32
          %dma_wait3A_401 = arith.constant 0 : i32
          %dma_wait3A_402 = tpu.memref_slice %arg2[%dma_wait3A_401] : memref<6291456xi32, #tpu.memory_space<hbm>> -> memref<4096xi32, #tpu.memory_space<hbm>>
          %dma_wait3A_403 = arith.constant 0 : i32
          %dma_wait3A_404 = tpu.memref_slice %arg2[%dma_wait3A_403] : memref<6291456xi32, #tpu.memory_space<hbm>> -> memref<4096xi32, #tpu.memory_space<hbm>>
          tpu.wait_dma2 semaphore(%run_scoped3A_3 : memref<!tpu.dma_semaphore, #tpu.memory_space<semaphore_mem>>) src(%dma_wait3A_404 : memref<4096xi32, #tpu.memory_space<hbm>>) dst(%run_scoped3A : memref<4096xi32, #tpu.memory_space<vmem>>)
          %dma_wait3A_405 = arith.constant 0 : i32
          %dma_wait3A_406 = tpu.memref_slice %arg3[%dma_wait3A_405] : memref<6291456xf32, #tpu.memory_space<hbm>> -> memref<4096xf32, #tpu.memory_space<hbm>>
          %dma_wait3A_407 = arith.constant 0 : i32
          %dma_wait3A_408 = tpu.memref_slice %arg3[%dma_wait3A_407] : memref<6291456xf32, #tpu.memory_space<hbm>> -> memref<4096xf32, #tpu.memory_space<hbm>>
          tpu.wait_dma2 semaphore(%run_scoped3A_3 : memref<!tpu.dma_semaphore, #tpu.memory_space<semaphore_mem>>) src(%dma_wait3A_408 : memref<4096xf32, #tpu.memory_space<hbm>>) dst(%run_scoped3A_0 : memref<4096xf32, #tpu.memory_space<vmem>>)
          %scan3A_409 = arith.constant 0 : i32
          %scan3A_410 = arith.constant 0 : i32
          %scan3A_411 = arith.constant 64 : i32
          %scan3A_412 = arith.addi %scan3A_410, %scan3A_411 : i32
          %scan3A_413 = arith.constant 1 : i32
          scf.for %scan3A_443 = %scan3A_410 to %scan3A_412 step %scan3A_413  : i32 {
            %mul3A_444 = arith.constant 4 : i32
            %mul3A_445 = arith.muli %scan3A_443, %mul3A_444 : i32
            %add3A_446 = arith.constant 0 : i32
            %add3A_447 = arith.addi %mul3A_445, %add3A_446 : i32
            %mul3A_448 = arith.constant 16 : i32
            %mul3A_449 = arith.muli %add3A_447, %mul3A_448 : i32
            %get3A = arith.index_cast %mul3A_449 : i32 to index
            %get3A_450 = tpu.vector_load %run_scoped3A[%get3A] {strides = array<i32>} : memref<4096xi32, #tpu.memory_space<vmem>>, vector<16xi32>,
            %get3A_451 = vector.shape_cast %get3A_450 : vector<16xi32> to vector<16xi32>
            %get3A_452 = arith.index_cast %mul3A_449 : i32 to index
            %get3A_453 = tpu.vector_load %run_scoped3A_0[%get3A_452] {strides = array<i32>} : memref<4096xf32, #tpu.memory_space<vmem>>, vector<16xf32>,
            %get3A_454 = vector.shape_cast %get3A_453 : vector<16xf32> to vector<16xf32>
            %sub3A = vector.broadcast %mul3A_17 : i32 to vector<16xi32>
            %sub3A_455 = arith.subi %get3A_451, %sub3A : vector<16xi32>
            %bitcast3A = vector.bitcast %sub3A_455 : vector<16xi32> to vector<16xi32>
            %lt3A_456 = vector.broadcast %select_n3A : i32 to vector<16xi32>
            %lt3A_457 = arith.cmpi ult, %bitcast3A, %lt3A_456 : vector<16xi32>
            %and3A = arith.constant 1048575 : i32
            %and3A_458 = vector.broadcast %and3A : i32 to vector<16xi32>
            %and3A_459 = arith.andi %sub3A_455, %and3A_458 : vector<16xi32>
            %select_n3A_460 = arith.select %lt3A_457, %sub3A_455, %and3A_459 : vector<16xi1>, vector<16xi32>
            %swap3A = arith.index_cast %mul3A_449 : i32 to index
            %swap3A_461 = tpu.vector_load %run_scoped3A[%swap3A] {strides = array<i32>} : memref<4096xi32, #tpu.memory_space<vmem>>, vector<16xi32>,
            %swap3A_462 = vector.shape_cast %swap3A_461 : vector<16xi32> to vector<16xi32>
            %swap3A_463 = vector.shape_cast %select_n3A_460 : vector<16xi32> to vector<16xi32>
            tpu.vector_store %run_scoped3A[%swap3A], %swap3A_463 {strides = array<i32>} : memref<4096xi32, #tpu.memory_space<vmem>>, vector<16xi32>,
            %jit3A_464 = arith.constant 0.000000e+00 : f32
            %broadcast_in_dim3A_465 = vector.broadcast %jit3A_464 : f32 to vector<16xf32>
            %select_n3A_466 = arith.select %lt3A_457, %get3A_454, %broadcast_in_dim3A_465 : vector<16xi1>, vector<16xf32>
            %swap3A_467 = arith.index_cast %mul3A_449 : i32 to index
            %swap3A_468 = tpu.vector_load %run_scoped3A_0[%swap3A_467] {strides = array<i32>} : memref<4096xf32, #tpu.memory_space<vmem>>, vector<16xf32>,
            %swap3A_469 = vector.shape_cast %swap3A_468 : vector<16xf32> to vector<16xf32>
            %swap3A_470 = vector.shape_cast %select_n3A_466 : vector<16xf32> to vector<16xf32>
            tpu.vector_store %run_scoped3A_0[%swap3A_467], %swap3A_470 {strides = array<i32>} : memref<4096xf32, #tpu.memory_space<vmem>>, vector<16xf32>,
            %mul3A_471 = arith.constant 4 : i32
            %mul3A_472 = arith.muli %scan3A_443, %mul3A_471 : i32
            %add3A_473 = arith.constant 1 : i32
            %add3A_474 = arith.addi %mul3A_472, %add3A_473 : i32
            %mul3A_475 = arith.constant 16 : i32
            %mul3A_476 = arith.muli %add3A_474, %mul3A_475 : i32
            %get3A_477 = arith.index_cast %mul3A_476 : i32 to index
            %get3A_478 = tpu.vector_load %run_scoped3A[%get3A_477] {strides = array<i32>} : memref<4096xi32, #tpu.memory_space<vmem>>, vector<16xi32>,
            %get3A_479 = vector.shape_cast %get3A_478 : vector<16xi32> to vector<16xi32>
            %get3A_480 = arith.index_cast %mul3A_476 : i32 to index
            %get3A_481 = tpu.vector_load %run_scoped3A_0[%get3A_480] {strides = array<i32>} : memref<4096xf32, #tpu.memory_space<vmem>>, vector<16xf32>,
            %get3A_482 = vector.shape_cast %get3A_481 : vector<16xf32> to vector<16xf32>
            %sub3A_483 = vector.broadcast %mul3A_17 : i32 to vector<16xi32>
            %sub3A_484 = arith.subi %get3A_479, %sub3A_483 : vector<16xi32>
            %bitcast3A_485 = vector.bitcast %sub3A_484 : vector<16xi32> to vector<16xi32>
            %lt3A_486 = vector.broadcast %select_n3A : i32 to vector<16xi32>
            %lt3A_487 = arith.cmpi ult, %bitcast3A_485, %lt3A_486 : vector<16xi32>
            %and3A_488 = arith.constant 1048575 : i32
            %and3A_489 = vector.broadcast %and3A_488 : i32 to vector<16xi32>
            %and3A_490 = arith.andi %sub3A_484, %and3A_489 : vector<16xi32>
            %select_n3A_491 = arith.select %lt3A_487, %sub3A_484, %and3A_490 : vector<16xi1>, vector<16xi32>
            %swap3A_492 = arith.index_cast %mul3A_476 : i32 to index
            %swap3A_493 = tpu.vector_load %run_scoped3A[%swap3A_492] {strides = array<i32>} : memref<4096xi32, #tpu.memory_space<vmem>>, vector<16xi32>,
            %swap3A_494 = vector.shape_cast %swap3A_493 : vector<16xi32> to vector<16xi32>
            %swap3A_495 = vector.shape_cast %select_n3A_491 : vector<16xi32> to vector<16xi32>
            tpu.vector_store %run_scoped3A[%swap3A_492], %swap3A_495 {strides = array<i32>} : memref<4096xi32, #tpu.memory_space<vmem>>, vector<16xi32>,
            %jit3A_496 = arith.constant 0.000000e+00 : f32
            %broadcast_in_dim3A_497 = vector.broadcast %jit3A_496 : f32 to vector<16xf32>
            %select_n3A_498 = arith.select %lt3A_487, %get3A_482, %broadcast_in_dim3A_497 : vector<16xi1>, vector<16xf32>
            %swap3A_499 = arith.index_cast %mul3A_476 : i32 to index
            %swap3A_500 = tpu.vector_load %run_scoped3A_0[%swap3A_499] {strides = array<i32>} : memref<4096xf32, #tpu.memory_space<vmem>>, vector<16xf32>,
            %swap3A_501 = vector.shape_cast %swap3A_500 : vector<16xf32> to vector<16xf32>
            %swap3A_502 = vector.shape_cast %select_n3A_498 : vector<16xf32> to vector<16xf32>
            tpu.vector_store %run_scoped3A_0[%swap3A_499], %swap3A_502 {strides = array<i32>} : memref<4096xf32, #tpu.memory_space<vmem>>, vector<16xf32>,
            %mul3A_503 = arith.constant 4 : i32
            %mul3A_504 = arith.muli %scan3A_443, %mul3A_503 : i32
            %add3A_505 = arith.constant 2 : i32
            %add3A_506 = arith.addi %mul3A_504, %add3A_505 : i32
            %mul3A_507 = arith.constant 16 : i32
            %mul3A_508 = arith.muli %add3A_506, %mul3A_507 : i32
            %get3A_509 = arith.index_cast %mul3A_508 : i32 to index
            %get3A_510 = tpu.vector_load %run_scoped3A[%get3A_509] {strides = array<i32>} : memref<4096xi32, #tpu.memory_space<vmem>>, vector<16xi32>,
            %get3A_511 = vector.shape_cast %get3A_510 : vector<16xi32> to vector<16xi32>
            %get3A_512 = arith.index_cast %mul3A_508 : i32 to index
            %get3A_513 = tpu.vector_load %run_scoped3A_0[%get3A_512] {strides = array<i32>} : memref<4096xf32, #tpu.memory_space<vmem>>, vector<16xf32>,
            %get3A_514 = vector.shape_cast %get3A_513 : vector<16xf32> to vector<16xf32>
            %sub3A_515 = vector.broadcast %mul3A_17 : i32 to vector<16xi32>
            %sub3A_516 = arith.subi %get3A_511, %sub3A_515 : vector<16xi32>
            %bitcast3A_517 = vector.bitcast %sub3A_516 : vector<16xi32> to vector<16xi32>
            %lt3A_518 = vector.broadcast %select_n3A : i32 to vector<16xi32>
            %lt3A_519 = arith.cmpi ult, %bitcast3A_517, %lt3A_518 : vector<16xi32>
            %and3A_520 = arith.constant 1048575 : i32
            %and3A_521 = vector.broadcast %and3A_520 : i32 to vector<16xi32>
            %and3A_522 = arith.andi %sub3A_516, %and3A_521 : vector<16xi32>
            %select_n3A_523 = arith.select %lt3A_519, %sub3A_516, %and3A_522 : vector<16xi1>, vector<16xi32>
            %swap3A_524 = arith.index_cast %mul3A_508 : i32 to index
            %swap3A_525 = tpu.vector_load %run_scoped3A[%swap3A_524] {strides = array<i32>} : memref<4096xi32, #tpu.memory_space<vmem>>, vector<16xi32>,
            %swap3A_526 = vector.shape_cast %swap3A_525 : vector<16xi32> to vector<16xi32>
            %swap3A_527 = vector.shape_cast %select_n3A_523 : vector<16xi32> to vector<16xi32>
            tpu.vector_store %run_scoped3A[%swap3A_524], %swap3A_527 {strides = array<i32>} : memref<4096xi32, #tpu.memory_space<vmem>>, vector<16xi32>,
            %jit3A_528 = arith.constant 0.000000e+00 : f32
            %broadcast_in_dim3A_529 = vector.broadcast %jit3A_528 : f32 to vector<16xf32>
            %select_n3A_530 = arith.select %lt3A_519, %get3A_514, %broadcast_in_dim3A_529 : vector<16xi1>, vector<16xf32>
            %swap3A_531 = arith.index_cast %mul3A_508 : i32 to index
            %swap3A_532 = tpu.vector_load %run_scoped3A_0[%swap3A_531] {strides = array<i32>} : memref<4096xf32, #tpu.memory_space<vmem>>, vector<16xf32>,
            %swap3A_533 = vector.shape_cast %swap3A_532 : vector<16xf32> to vector<16xf32>
            %swap3A_534 = vector.shape_cast %select_n3A_530 : vector<16xf32> to vector<16xf32>
            tpu.vector_store %run_scoped3A_0[%swap3A_531], %swap3A_534 {strides = array<i32>} : memref<4096xf32, #tpu.memory_space<vmem>>, vector<16xf32>,
            %mul3A_535 = arith.constant 4 : i32
            %mul3A_536 = arith.muli %scan3A_443, %mul3A_535 : i32
            %add3A_537 = arith.constant 3 : i32
            %add3A_538 = arith.addi %mul3A_536, %add3A_537 : i32
            %mul3A_539 = arith.constant 16 : i32
            %mul3A_540 = arith.muli %add3A_538, %mul3A_539 : i32
            %get3A_541 = arith.index_cast %mul3A_540 : i32 to index
            %get3A_542 = tpu.vector_load %run_scoped3A[%get3A_541] {strides = array<i32>} : memref<4096xi32, #tpu.memory_space<vmem>>, vector<16xi32>,
            %get3A_543 = vector.shape_cast %get3A_542 : vector<16xi32> to vector<16xi32>
            %get3A_544 = arith.index_cast %mul3A_540 : i32 to index
            %get3A_545 = tpu.vector_load %run_scoped3A_0[%get3A_544] {strides = array<i32>} : memref<4096xf32, #tpu.memory_space<vmem>>, vector<16xf32>,
            %get3A_546 = vector.shape_cast %get3A_545 : vector<16xf32> to vector<16xf32>
            %sub3A_547 = vector.broadcast %mul3A_17 : i32 to vector<16xi32>
            %sub3A_548 = arith.subi %get3A_543, %sub3A_547 : vector<16xi32>
            %bitcast3A_549 = vector.bitcast %sub3A_548 : vector<16xi32> to vector<16xi32>
            %lt3A_550 = vector.broadcast %select_n3A : i32 to vector<16xi32>
            %lt3A_551 = arith.cmpi ult, %bitcast3A_549, %lt3A_550 : vector<16xi32>
            %and3A_552 = arith.constant 1048575 : i32
            %and3A_553 = vector.broadcast %and3A_552 : i32 to vector<16xi32>
            %and3A_554 = arith.andi %sub3A_548, %and3A_553 : vector<16xi32>
            %select_n3A_555 = arith.select %lt3A_551, %sub3A_548, %and3A_554 : vector<16xi1>, vector<16xi32>
            %swap3A_556 = arith.index_cast %mul3A_540 : i32 to index
            %swap3A_557 = tpu.vector_load %run_scoped3A[%swap3A_556] {strides = array<i32>} : memref<4096xi32, #tpu.memory_space<vmem>>, vector<16xi32>,
            %swap3A_558 = vector.shape_cast %swap3A_557 : vector<16xi32> to vector<16xi32>
            %swap3A_559 = vector.shape_cast %select_n3A_555 : vector<16xi32> to vector<16xi32>
            tpu.vector_store %run_scoped3A[%swap3A_556], %swap3A_559 {strides = array<i32>} : memref<4096xi32, #tpu.memory_space<vmem>>, vector<16xi32>,
            %jit3A_560 = arith.constant 0.000000e+00 : f32
            %broadcast_in_dim3A_561 = vector.broadcast %jit3A_560 : f32 to vector<16xf32>
            %select_n3A_562 = arith.select %lt3A_551, %get3A_546, %broadcast_in_dim3A_561 : vector<16xi1>, vector<16xf32>
            %swap3A_563 = arith.index_cast %mul3A_540 : i32 to index
            %swap3A_564 = tpu.vector_load %run_scoped3A_0[%swap3A_563] {strides = array<i32>} : memref<4096xf32, #tpu.memory_space<vmem>>, vector<16xf32>,
            %swap3A_565 = vector.shape_cast %swap3A_564 : vector<16xf32> to vector<16xf32>
            %swap3A_566 = vector.shape_cast %select_n3A_562 : vector<16xf32> to vector<16xf32>
            tpu.vector_store %run_scoped3A_0[%swap3A_563], %swap3A_566 {strides = array<i32>} : memref<4096xf32, #tpu.memory_space<vmem>>, vector<16xf32>,
          }
          %scan3A_414 = arith.constant 64 : i32
          %dma_start3A_415 = arith.constant 0 : i32
          %dma_start3A_416 = tpu.memref_slice %arg5[%dma_start3A_415] : memref<1835008xf32, #tpu.memory_space<vmem_shared>> -> memref<1835008xf32, #tpu.memory_space<vmem_shared>>
          tpu.enqueue_indirect_dma source(%run_scoped3A_0 : memref<4096xf32, #tpu.memory_space<vmem>>) target(%dma_start3A_416 : memref<1835008xf32, #tpu.memory_space<vmem_shared>>) offsets(%run_scoped3A : memref<4096xi32, #tpu.memory_space<vmem>>) semaphore(%run_scoped3A_5 : memref<!tpu.dma_semaphore, #tpu.memory_space<semaphore_mem>>) {add = true}
          %mul3A_417 = arith.constant 2 : i32
          %mul3A_418 = arith.muli %mul3A_417, %scan3A_398 : i32
          %add3A_419 = arith.constant 1 : i32
          %add3A_420 = arith.addi %mul3A_418, %add3A_419 : i32
          %dma_wait3A_421 = arith.constant 0 : i32
          %dma_wait3A_422 = tpu.memref_slice %arg2[%dma_wait3A_421] : memref<6291456xi32, #tpu.memory_space<hbm>> -> memref<4096xi32, #tpu.memory_space<hbm>>
          %dma_wait3A_423 = arith.constant 0 : i32
          %dma_wait3A_424 = tpu.memref_slice %arg2[%dma_wait3A_423] : memref<6291456xi32, #tpu.memory_space<hbm>> -> memref<4096xi32, #tpu.memory_space<hbm>>
          tpu.wait_dma2 semaphore(%run_scoped3A_4 : memref<!tpu.dma_semaphore, #tpu.memory_space<semaphore_mem>>) src(%dma_wait3A_424 : memref<4096xi32, #tpu.memory_space<hbm>>) dst(%run_scoped3A_1 : memref<4096xi32, #tpu.memory_space<vmem>>)
          %dma_wait3A_425 = arith.constant 0 : i32
          %dma_wait3A_426 = tpu.memref_slice %arg3[%dma_wait3A_425] : memref<6291456xf32, #tpu.memory_space<hbm>> -> memref<4096xf32, #tpu.memory_space<hbm>>
          %dma_wait3A_427 = arith.constant 0 : i32
          %dma_wait3A_428 = tpu.memref_slice %arg3[%dma_wait3A_427] : memref<6291456xf32, #tpu.memory_space<hbm>> -> memref<4096xf32, #tpu.memory_space<hbm>>
          tpu.wait_dma2 semaphore(%run_scoped3A_4 : memref<!tpu.dma_semaphore, #tpu.memory_space<semaphore_mem>>) src(%dma_wait3A_428 : memref<4096xf32, #tpu.memory_space<hbm>>) dst(%run_scoped3A_2 : memref<4096xf32, #tpu.memory_space<vmem>>)
          %scan3A_429 = arith.constant 0 : i32
          %scan3A_430 = arith.constant 0 : i32
          %scan3A_431 = arith.constant 64 : i32
          %scan3A_432 = arith.addi %scan3A_430, %scan3A_431 : i32
          %scan3A_433 = arith.constant 1 : i32
          scf.for %scan3A_443 = %scan3A_430 to %scan3A_432 step %scan3A_433  : i32 {
            %mul3A_444 = arith.constant 4 : i32
            %mul3A_445 = arith.muli %scan3A_443, %mul3A_444 : i32
            %add3A_446 = arith.constant 0 : i32
            %add3A_447 = arith.addi %mul3A_445, %add3A_446 : i32
            %mul3A_448 = arith.constant 16 : i32
            %mul3A_449 = arith.muli %add3A_447, %mul3A_448 : i32
            %get3A = arith.index_cast %mul3A_449 : i32 to index
            %get3A_450 = tpu.vector_load %run_scoped3A_1[%get3A] {strides = array<i32>} : memref<4096xi32, #tpu.memory_space<vmem>>, vector<16xi32>,
            %get3A_451 = vector.shape_cast %get3A_450 : vector<16xi32> to vector<16xi32>
            %get3A_452 = arith.index_cast %mul3A_449 : i32 to index
            %get3A_453 = tpu.vector_load %run_scoped3A_2[%get3A_452] {strides = array<i32>} : memref<4096xf32, #tpu.memory_space<vmem>>, vector<16xf32>,
            %get3A_454 = vector.shape_cast %get3A_453 : vector<16xf32> to vector<16xf32>
            %sub3A = vector.broadcast %mul3A_17 : i32 to vector<16xi32>
            %sub3A_455 = arith.subi %get3A_451, %sub3A : vector<16xi32>
            %bitcast3A = vector.bitcast %sub3A_455 : vector<16xi32> to vector<16xi32>
            %lt3A_456 = vector.broadcast %select_n3A : i32 to vector<16xi32>
            %lt3A_457 = arith.cmpi ult, %bitcast3A, %lt3A_456 : vector<16xi32>
            %and3A = arith.constant 1048575 : i32
            %and3A_458 = vector.broadcast %and3A : i32 to vector<16xi32>
            %and3A_459 = arith.andi %sub3A_455, %and3A_458 : vector<16xi32>
            %select_n3A_460 = arith.select %lt3A_457, %sub3A_455, %and3A_459 : vector<16xi1>, vector<16xi32>
            %swap3A = arith.index_cast %mul3A_449 : i32 to index
            %swap3A_461 = tpu.vector_load %run_scoped3A_1[%swap3A] {strides = array<i32>} : memref<4096xi32, #tpu.memory_space<vmem>>, vector<16xi32>,
            %swap3A_462 = vector.shape_cast %swap3A_461 : vector<16xi32> to vector<16xi32>
            %swap3A_463 = vector.shape_cast %select_n3A_460 : vector<16xi32> to vector<16xi32>
            tpu.vector_store %run_scoped3A_1[%swap3A], %swap3A_463 {strides = array<i32>} : memref<4096xi32, #tpu.memory_space<vmem>>, vector<16xi32>,
            %jit3A_464 = arith.constant 0.000000e+00 : f32
            %broadcast_in_dim3A_465 = vector.broadcast %jit3A_464 : f32 to vector<16xf32>
            %select_n3A_466 = arith.select %lt3A_457, %get3A_454, %broadcast_in_dim3A_465 : vector<16xi1>, vector<16xf32>
            %swap3A_467 = arith.index_cast %mul3A_449 : i32 to index
            %swap3A_468 = tpu.vector_load %run_scoped3A_2[%swap3A_467] {strides = array<i32>} : memref<4096xf32, #tpu.memory_space<vmem>>, vector<16xf32>,
            %swap3A_469 = vector.shape_cast %swap3A_468 : vector<16xf32> to vector<16xf32>
            %swap3A_470 = vector.shape_cast %select_n3A_466 : vector<16xf32> to vector<16xf32>
            tpu.vector_store %run_scoped3A_2[%swap3A_467], %swap3A_470 {strides = array<i32>} : memref<4096xf32, #tpu.memory_space<vmem>>, vector<16xf32>,
            %mul3A_471 = arith.constant 4 : i32
            %mul3A_472 = arith.muli %scan3A_443, %mul3A_471 : i32
            %add3A_473 = arith.constant 1 : i32
            %add3A_474 = arith.addi %mul3A_472, %add3A_473 : i32
            %mul3A_475 = arith.constant 16 : i32
            %mul3A_476 = arith.muli %add3A_474, %mul3A_475 : i32
            %get3A_477 = arith.index_cast %mul3A_476 : i32 to index
            %get3A_478 = tpu.vector_load %run_scoped3A_1[%get3A_477] {strides = array<i32>} : memref<4096xi32, #tpu.memory_space<vmem>>, vector<16xi32>,
            %get3A_479 = vector.shape_cast %get3A_478 : vector<16xi32> to vector<16xi32>
            %get3A_480 = arith.index_cast %mul3A_476 : i32 to index
            %get3A_481 = tpu.vector_load %run_scoped3A_2[%get3A_480] {strides = array<i32>} : memref<4096xf32, #tpu.memory_space<vmem>>, vector<16xf32>,
            %get3A_482 = vector.shape_cast %get3A_481 : vector<16xf32> to vector<16xf32>
            %sub3A_483 = vector.broadcast %mul3A_17 : i32 to vector<16xi32>
            %sub3A_484 = arith.subi %get3A_479, %sub3A_483 : vector<16xi32>
            %bitcast3A_485 = vector.bitcast %sub3A_484 : vector<16xi32> to vector<16xi32>
            %lt3A_486 = vector.broadcast %select_n3A : i32 to vector<16xi32>
            %lt3A_487 = arith.cmpi ult, %bitcast3A_485, %lt3A_486 : vector<16xi32>
            %and3A_488 = arith.constant 1048575 : i32
            %and3A_489 = vector.broadcast %and3A_488 : i32 to vector<16xi32>
            %and3A_490 = arith.andi %sub3A_484, %and3A_489 : vector<16xi32>
            %select_n3A_491 = arith.select %lt3A_487, %sub3A_484, %and3A_490 : vector<16xi1>, vector<16xi32>
            %swap3A_492 = arith.index_cast %mul3A_476 : i32 to index
            %swap3A_493 = tpu.vector_load %run_scoped3A_1[%swap3A_492] {strides = array<i32>} : memref<4096xi32, #tpu.memory_space<vmem>>, vector<16xi32>,
            %swap3A_494 = vector.shape_cast %swap3A_493 : vector<16xi32> to vector<16xi32>
            %swap3A_495 = vector.shape_cast %select_n3A_491 : vector<16xi32> to vector<16xi32>
            tpu.vector_store %run_scoped3A_1[%swap3A_492], %swap3A_495 {strides = array<i32>} : memref<4096xi32, #tpu.memory_space<vmem>>, vector<16xi32>,
            %jit3A_496 = arith.constant 0.000000e+00 : f32
            %broadcast_in_dim3A_497 = vector.broadcast %jit3A_496 : f32 to vector<16xf32>
            %select_n3A_498 = arith.select %lt3A_487, %get3A_482, %broadcast_in_dim3A_497 : vector<16xi1>, vector<16xf32>
            %swap3A_499 = arith.index_cast %mul3A_476 : i32 to index
            %swap3A_500 = tpu.vector_load %run_scoped3A_2[%swap3A_499] {strides = array<i32>} : memref<4096xf32, #tpu.memory_space<vmem>>, vector<16xf32>,
            %swap3A_501 = vector.shape_cast %swap3A_500 : vector<16xf32> to vector<16xf32>
            %swap3A_502 = vector.shape_cast %select_n3A_498 : vector<16xf32> to vector<16xf32>
            tpu.vector_store %run_scoped3A_2[%swap3A_499], %swap3A_502 {strides = array<i32>} : memref<4096xf32, #tpu.memory_space<vmem>>, vector<16xf32>,
            %mul3A_503 = arith.constant 4 : i32
            %mul3A_504 = arith.muli %scan3A_443, %mul3A_503 : i32
            %add3A_505 = arith.constant 2 : i32
            %add3A_506 = arith.addi %mul3A_504, %add3A_505 : i32
            %mul3A_507 = arith.constant 16 : i32
            %mul3A_508 = arith.muli %add3A_506, %mul3A_507 : i32
            %get3A_509 = arith.index_cast %mul3A_508 : i32 to index
            %get3A_510 = tpu.vector_load %run_scoped3A_1[%get3A_509] {strides = array<i32>} : memref<4096xi32, #tpu.memory_space<vmem>>, vector<16xi32>,
            %get3A_511 = vector.shape_cast %get3A_510 : vector<16xi32> to vector<16xi32>
            %get3A_512 = arith.index_cast %mul3A_508 : i32 to index
            %get3A_513 = tpu.vector_load %run_scoped3A_2[%get3A_512] {strides = array<i32>} : memref<4096xf32, #tpu.memory_space<vmem>>, vector<16xf32>,
            %get3A_514 = vector.shape_cast %get3A_513 : vector<16xf32> to vector<16xf32>
            %sub3A_515 = vector.broadcast %mul3A_17 : i32 to vector<16xi32>
            %sub3A_516 = arith.subi %get3A_511, %sub3A_515 : vector<16xi32>
            %bitcast3A_517 = vector.bitcast %sub3A_516 : vector<16xi32> to vector<16xi32>
            %lt3A_518 = vector.broadcast %select_n3A : i32 to vector<16xi32>
            %lt3A_519 = arith.cmpi ult, %bitcast3A_517, %lt3A_518 : vector<16xi32>
            %and3A_520 = arith.constant 1048575 : i32
            %and3A_521 = vector.broadcast %and3A_520 : i32 to vector<16xi32>
            %and3A_522 = arith.andi %sub3A_516, %and3A_521 : vector<16xi32>
            %select_n3A_523 = arith.select %lt3A_519, %sub3A_516, %and3A_522 : vector<16xi1>, vector<16xi32>
            %swap3A_524 = arith.index_cast %mul3A_508 : i32 to index
            %swap3A_525 = tpu.vector_load %run_scoped3A_1[%swap3A_524] {strides = array<i32>} : memref<4096xi32, #tpu.memory_space<vmem>>, vector<16xi32>,
            %swap3A_526 = vector.shape_cast %swap3A_525 : vector<16xi32> to vector<16xi32>
            %swap3A_527 = vector.shape_cast %select_n3A_523 : vector<16xi32> to vector<16xi32>
            tpu.vector_store %run_scoped3A_1[%swap3A_524], %swap3A_527 {strides = array<i32>} : memref<4096xi32, #tpu.memory_space<vmem>>, vector<16xi32>,
            %jit3A_528 = arith.constant 0.000000e+00 : f32
            %broadcast_in_dim3A_529 = vector.broadcast %jit3A_528 : f32 to vector<16xf32>
            %select_n3A_530 = arith.select %lt3A_519, %get3A_514, %broadcast_in_dim3A_529 : vector<16xi1>, vector<16xf32>
            %swap3A_531 = arith.index_cast %mul3A_508 : i32 to index
            %swap3A_532 = tpu.vector_load %run_scoped3A_2[%swap3A_531] {strides = array<i32>} : memref<4096xf32, #tpu.memory_space<vmem>>, vector<16xf32>,
            %swap3A_533 = vector.shape_cast %swap3A_532 : vector<16xf32> to vector<16xf32>
            %swap3A_534 = vector.shape_cast %select_n3A_530 : vector<16xf32> to vector<16xf32>
            tpu.vector_store %run_scoped3A_2[%swap3A_531], %swap3A_534 {strides = array<i32>} : memref<4096xf32, #tpu.memory_space<vmem>>, vector<16xf32>,
            %mul3A_535 = arith.constant 4 : i32
            %mul3A_536 = arith.muli %scan3A_443, %mul3A_535 : i32
            %add3A_537 = arith.constant 3 : i32
            %add3A_538 = arith.addi %mul3A_536, %add3A_537 : i32
            %mul3A_539 = arith.constant 16 : i32
            %mul3A_540 = arith.muli %add3A_538, %mul3A_539 : i32
            %get3A_541 = arith.index_cast %mul3A_540 : i32 to index
            %get3A_542 = tpu.vector_load %run_scoped3A_1[%get3A_541] {strides = array<i32>} : memref<4096xi32, #tpu.memory_space<vmem>>, vector<16xi32>,
            %get3A_543 = vector.shape_cast %get3A_542 : vector<16xi32> to vector<16xi32>
            %get3A_544 = arith.index_cast %mul3A_540 : i32 to index
            %get3A_545 = tpu.vector_load %run_scoped3A_2[%get3A_544] {strides = array<i32>} : memref<4096xf32, #tpu.memory_space<vmem>>, vector<16xf32>,
            %get3A_546 = vector.shape_cast %get3A_545 : vector<16xf32> to vector<16xf32>
            %sub3A_547 = vector.broadcast %mul3A_17 : i32 to vector<16xi32>
            %sub3A_548 = arith.subi %get3A_543, %sub3A_547 : vector<16xi32>
            %bitcast3A_549 = vector.bitcast %sub3A_548 : vector<16xi32> to vector<16xi32>
            %lt3A_550 = vector.broadcast %select_n3A : i32 to vector<16xi32>
            %lt3A_551 = arith.cmpi ult, %bitcast3A_549, %lt3A_550 : vector<16xi32>
            %and3A_552 = arith.constant 1048575 : i32
            %and3A_553 = vector.broadcast %and3A_552 : i32 to vector<16xi32>
            %and3A_554 = arith.andi %sub3A_548, %and3A_553 : vector<16xi32>
            %select_n3A_555 = arith.select %lt3A_551, %sub3A_548, %and3A_554 : vector<16xi1>, vector<16xi32>
            %swap3A_556 = arith.index_cast %mul3A_540 : i32 to index
            %swap3A_557 = tpu.vector_load %run_scoped3A_1[%swap3A_556] {strides = array<i32>} : memref<4096xi32, #tpu.memory_space<vmem>>, vector<16xi32>,
            %swap3A_558 = vector.shape_cast %swap3A_557 : vector<16xi32> to vector<16xi32>
            %swap3A_559 = vector.shape_cast %select_n3A_555 : vector<16xi32> to vector<16xi32>
            tpu.vector_store %run_scoped3A_1[%swap3A_556], %swap3A_559 {strides = array<i32>} : memref<4096xi32, #tpu.memory_space<vmem>>, vector<16xi32>,
            %jit3A_560 = arith.constant 0.000000e+00 : f32
            %broadcast_in_dim3A_561 = vector.broadcast %jit3A_560 : f32 to vector<16xf32>
            %select_n3A_562 = arith.select %lt3A_551, %get3A_546, %broadcast_in_dim3A_561 : vector<16xi1>, vector<16xf32>
            %swap3A_563 = arith.index_cast %mul3A_540 : i32 to index
            %swap3A_564 = tpu.vector_load %run_scoped3A_2[%swap3A_563] {strides = array<i32>} : memref<4096xf32, #tpu.memory_space<vmem>>, vector<16xf32>,
            %swap3A_565 = vector.shape_cast %swap3A_564 : vector<16xf32> to vector<16xf32>
            %swap3A_566 = vector.shape_cast %select_n3A_562 : vector<16xf32> to vector<16xf32>
            tpu.vector_store %run_scoped3A_2[%swap3A_563], %swap3A_566 {strides = array<i32>} : memref<4096xf32, #tpu.memory_space<vmem>>, vector<16xf32>,
          }
          %scan3A_434 = arith.constant 64 : i32
          %dma_start3A_435 = arith.constant 0 : i32
          %dma_start3A_436 = tpu.memref_slice %arg5[%dma_start3A_435] : memref<1835008xf32, #tpu.memory_space<vmem_shared>> -> memref<1835008xf32, #tpu.memory_space<vmem_shared>>
          tpu.enqueue_indirect_dma source(%run_scoped3A_2 : memref<4096xf32, #tpu.memory_space<vmem>>) target(%dma_start3A_436 : memref<1835008xf32, #tpu.memory_space<vmem_shared>>) offsets(%run_scoped3A_1 : memref<4096xi32, #tpu.memory_space<vmem>>) semaphore(%run_scoped3A_6 : memref<!tpu.dma_semaphore, #tpu.memory_space<semaphore_mem>>) {add = true}
          %add3A_437 = arith.constant 1 : i32
          %add3A_438 = arith.addi %scan3A_398, %add3A_437 : i32
          %lt3A = arith.constant 48 : i32
          %lt3A_439 = arith.cmpi slt, %add3A_438, %lt3A : i32
          %convert_element_type3A_440 = arith.extui %lt3A_439 : i1 to i32
          %cond3A_441 = arith.constant 0 : i32
          %cond3A_442 = arith.cmpi ne, %convert_element_type3A_440, %cond3A_441 : i32
          scf.if %cond3A_442 {
            %dma_wait3A_443 = arith.constant 0 : i32
            %dma_wait3A_444 = tpu.memref_slice %arg5[%dma_wait3A_443] : memref<1835008xf32, #tpu.memory_space<vmem_shared>> -> memref<4096xf32, #tpu.memory_space<vmem_shared>>
            %dma_wait3A_445 = arith.constant 0 : i32
            %dma_wait3A_446 = tpu.memref_slice %arg5[%dma_wait3A_445] : memref<1835008xf32, #tpu.memory_space<vmem_shared>> -> memref<4096xf32, #tpu.memory_space<vmem_shared>>
            tpu.wait_dma2 semaphore(%run_scoped3A_5 : memref<!tpu.dma_semaphore, #tpu.memory_space<semaphore_mem>>) src(%run_scoped3A_0 : memref<4096xf32, #tpu.memory_space<vmem>>) dst(%dma_wait3A_446 : memref<4096xf32, #tpu.memory_space<vmem_shared>>)
            %mul3A_447 = arith.constant 2 : i32
            %mul3A_448 = arith.muli %mul3A_447, %scan3A_398 : i32
            %add3A_449 = arith.constant 2 : i32
            %add3A_450 = arith.addi %mul3A_448, %add3A_449 : i32
            %mul3A_451 = arith.constant 393216 : i32
            %mul3A_452 = arith.muli %arg1, %mul3A_451 : i32
            %mul3A_453 = arith.constant 4096 : i32
            %mul3A_454 = arith.muli %add3A_450, %mul3A_453 : i32
            %add3A_455 = arith.addi %mul3A_452, %mul3A_454 : i32
            %dma_start3A_456 = tpu.memref_slice %arg2[%add3A_455] : memref<6291456xi32, #tpu.memory_space<hbm>> -> memref<4096xi32, #tpu.memory_space<hbm>>
            %dma_start3A_457 = tpu.memref_slice %arg2[%add3A_455] : memref<6291456xi32, #tpu.memory_space<hbm>> -> memref<4096xi32, #tpu.memory_space<hbm>>
            tpu.enqueue_dma source(%dma_start3A_457 : memref<4096xi32, #tpu.memory_space<hbm>>) target(%run_scoped3A : memref<4096xi32, #tpu.memory_space<vmem>>) target_semaphore(%run_scoped3A_3 : memref<!tpu.dma_semaphore, #tpu.memory_space<semaphore_mem>>)
            %dma_start3A_458 = tpu.memref_slice %arg3[%add3A_455] : memref<6291456xf32, #tpu.memory_space<hbm>> -> memref<4096xf32, #tpu.memory_space<hbm>>
            %dma_start3A_459 = tpu.memref_slice %arg3[%add3A_455] : memref<6291456xf32, #tpu.memory_space<hbm>> -> memref<4096xf32, #tpu.memory_space<hbm>>
            tpu.enqueue_dma source(%dma_start3A_459 : memref<4096xf32, #tpu.memory_space<hbm>>) target(%run_scoped3A_0 : memref<4096xf32, #tpu.memory_space<vmem>>) target_semaphore(%run_scoped3A_3 : memref<!tpu.dma_semaphore, #tpu.memory_space<semaphore_mem>>)
            %dma_wait3A_460 = arith.constant 0 : i32
            %dma_wait3A_461 = tpu.memref_slice %arg5[%dma_wait3A_460] : memref<1835008xf32, #tpu.memory_space<vmem_shared>> -> memref<4096xf32, #tpu.memory_space<vmem_shared>>
            %dma_wait3A_462 = arith.constant 0 : i32
            %dma_wait3A_463 = tpu.memref_slice %arg5[%dma_wait3A_462] : memref<1835008xf32, #tpu.memory_space<vmem_shared>> -> memref<4096xf32, #tpu.memory_space<vmem_shared>>
            tpu.wait_dma2 semaphore(%run_scoped3A_6 : memref<!tpu.dma_semaphore, #tpu.memory_space<semaphore_mem>>) src(%run_scoped3A_2 : memref<4096xf32, #tpu.memory_space<vmem>>) dst(%dma_wait3A_463 : memref<4096xf32, #tpu.memory_space<vmem_shared>>)
            %mul3A_464 = arith.constant 2 : i32
            %mul3A_465 = arith.muli %mul3A_464, %scan3A_398 : i32
            %add3A_466 = arith.constant 3 : i32
            %add3A_467 = arith.addi %mul3A_465, %add3A_466 : i32
            %mul3A_468 = arith.constant 393216 : i32
            %mul3A_469 = arith.muli %arg1, %mul3A_468 : i32
            %mul3A_470 = arith.constant 4096 : i32
            %mul3A_471 = arith.muli %add3A_467, %mul3A_470 : i32
            %add3A_472 = arith.addi %mul3A_469, %mul3A_471 : i32
            %dma_start3A_473 = tpu.memref_slice %arg2[%add3A_472] : memref<6291456xi32, #tpu.memory_space<hbm>> -> memref<4096xi32, #tpu.memory_space<hbm>>
            %dma_start3A_474 = tpu.memref_slice %arg2[%add3A_472] : memref<6291456xi32, #tpu.memory_space<hbm>> -> memref<4096xi32, #tpu.memory_space<hbm>>
            tpu.enqueue_dma source(%dma_start3A_474 : memref<4096xi32, #tpu.memory_space<hbm>>) target(%run_scoped3A_1 : memref<4096xi32, #tpu.memory_space<vmem>>) target_semaphore(%run_scoped3A_4 : memref<!tpu.dma_semaphore, #tpu.memory_space<semaphore_mem>>)
            %dma_start3A_475 = tpu.memref_slice %arg3[%add3A_472] : memref<6291456xf32, #tpu.memory_space<hbm>> -> memref<4096xf32, #tpu.memory_space<hbm>>
            %dma_start3A_476 = tpu.memref_slice %arg3[%add3A_472] : memref<6291456xf32, #tpu.memory_space<hbm>> -> memref<4096xf32, #tpu.memory_space<hbm>>
            tpu.enqueue_dma source(%dma_start3A_476 : memref<4096xf32, #tpu.memory_space<hbm>>) target(%run_scoped3A_2 : memref<4096xf32, #tpu.memory_space<vmem>>) target_semaphore(%run_scoped3A_4 : memref<!tpu.dma_semaphore, #tpu.memory_space<semaphore_mem>>)
          } else {
          }
        }
        %scan3A_381 = arith.constant 48 : i32
        %dma_wait3A_382 = arith.constant 0 : i32
        %dma_wait3A_383 = tpu.memref_slice %arg5[%dma_wait3A_382] : memref<1835008xf32, #tpu.memory_space<vmem_shared>> -> memref<4096xf32, #tpu.memory_space<vmem_shared>>
        %dma_wait3A_384 = arith.constant 0 : i32
        %dma_wait3A_385 = tpu.memref_slice %arg5[%dma_wait3A_384] : memref<1835008xf32, #tpu.memory_space<vmem_shared>> -> memref<4096xf32, #tpu.memory_space<vmem_shared>>
        tpu.wait_dma2 semaphore(%run_scoped3A_5 : memref<!tpu.dma_semaphore, #tpu.memory_space<semaphore_mem>>) src(%run_scoped3A_0 : memref<4096xf32, #tpu.memory_space<vmem>>) dst(%dma_wait3A_385 : memref<4096xf32, #tpu.memory_space<vmem_shared>>)
        %dma_wait3A_386 = arith.constant 0 : i32
        %dma_wait3A_387 = tpu.memref_slice %arg5[%dma_wait3A_386] : memref<1835008xf32, #tpu.memory_space<vmem_shared>> -> memref<4096xf32, #tpu.memory_space<vmem_shared>>
        %dma_wait3A_388 = arith.constant 0 : i32
        %dma_wait3A_389 = tpu.memref_slice %arg5[%dma_wait3A_388] : memref<1835008xf32, #tpu.memory_space<vmem_shared>> -> memref<4096xf32, #tpu.memory_space<vmem_shared>>
        tpu.wait_dma2 semaphore(%run_scoped3A_6 : memref<!tpu.dma_semaphore, #tpu.memory_space<semaphore_mem>>) src(%run_scoped3A_2 : memref<4096xf32, #tpu.memory_space<vmem>>) dst(%dma_wait3A_389 : memref<4096xf32, #tpu.memory_space<vmem_shared>>)
        %barrier3A_390 = arith.constant 0 : index
        tpu.barrier barrier_id(%barrier3A_390)
        %ne3A = arith.constant 13 : i32
        %ne3A_391 = arith.cmpi ne, %add3A, %ne3A : i32
        %convert_element_type3A = arith.extui %ne3A_391 : i1 to i32
        %cond3A = arith.constant 0 : i32
        %cond3A_392 = arith.cmpi ne, %convert_element_type3A, %cond3A : i32
        scf.if %cond3A_392 {
          %mul3A_398 = arith.constant 114688 : i32
          %mul3A_399 = arith.muli %arg1, %mul3A_398 : i32
          %mul3A_400 = arith.constant 114688 : i32
          %mul3A_401 = arith.muli %arg1, %mul3A_400 : i32
          %add3A_402 = arith.addi %mul3A_17, %mul3A_401 : i32
          "tpu.region"() ({
            %run_scoped3A_403 = tpu.sem_alloc : memref<!tpu.dma_semaphore, #tpu.memory_space<semaphore_mem>>
            %dma_start3A_404 = tpu.memref_slice %arg4[%add3A_402] : memref<25165824xf32, #tpu.memory_space<hbm>> -> memref<114688xf32, #tpu.memory_space<hbm>>
            %dma_start3A_405 = tpu.memref_slice %arg5[%mul3A_399] : memref<1835008xf32, #tpu.memory_space<vmem_shared>> -> memref<114688xf32, #tpu.memory_space<vmem_shared>>
            tpu.enqueue_dma source(%dma_start3A_405 : memref<114688xf32, #tpu.memory_space<vmem_shared>>) target(%dma_start3A_404 : memref<114688xf32, #tpu.memory_space<hbm>>) target_semaphore(%run_scoped3A_403 : memref<!tpu.dma_semaphore, #tpu.memory_space<semaphore_mem>>)
            %dma_wait3A_406 = tpu.memref_slice %arg4[%add3A_402] : memref<25165824xf32, #tpu.memory_space<hbm>> -> memref<114688xf32, #tpu.memory_space<hbm>>
            %dma_wait3A_407 = tpu.memref_slice %arg5[%mul3A_399] : memref<1835008xf32, #tpu.memory_space<vmem_shared>> -> memref<114688xf32, #tpu.memory_space<vmem_shared>>
            tpu.wait_dma2 semaphore(%run_scoped3A_403 : memref<!tpu.dma_semaphore, #tpu.memory_space<semaphore_mem>>) src(%dma_wait3A_407 : memref<114688xf32, #tpu.memory_space<vmem_shared>>) dst(%dma_wait3A_406 : memref<114688xf32, #tpu.memory_space<hbm>>)
            tpu.yield
          }) : () -> ()
        } else {
        }
        %eq3A_393 = arith.constant 13 : i32
        %eq3A_394 = arith.cmpi eq, %add3A, %eq3A_393 : i32
        %convert_element_type3A_395 = arith.extui %eq3A_394 : i1 to i32
        %cond3A_396 = arith.constant 0 : i32
        %cond3A_397 = arith.cmpi ne, %convert_element_type3A_395, %cond3A_396 : i32
        scf.if %cond3A_397 {
          %mul3A_398 = arith.constant 81920 : i32
          %mul3A_399 = arith.muli %arg1, %mul3A_398 : i32
          %mul3A_400 = arith.constant 81920 : i32
          %mul3A_401 = arith.muli %arg1, %mul3A_400 : i32
          %add3A_402 = arith.addi %mul3A_17, %mul3A_401 : i32
          "tpu.region"() ({
            %run_scoped3A_403 = tpu.sem_alloc : memref<!tpu.dma_semaphore, #tpu.memory_space<semaphore_mem>>
            %dma_start3A_404 = tpu.memref_slice %arg4[%add3A_402] : memref<25165824xf32, #tpu.memory_space<hbm>> -> memref<81920xf32, #tpu.memory_space<hbm>>
            %dma_start3A_405 = tpu.memref_slice %arg5[%mul3A_399] : memref<1835008xf32, #tpu.memory_space<vmem_shared>> -> memref<81920xf32, #tpu.memory_space<vmem_shared>>
            tpu.enqueue_dma source(%dma_start3A_405 : memref<81920xf32, #tpu.memory_space<vmem_shared>>) target(%dma_start3A_404 : memref<81920xf32, #tpu.memory_space<hbm>>) target_semaphore(%run_scoped3A_403 : memref<!tpu.dma_semaphore, #tpu.memory_space<semaphore_mem>>)
            %dma_wait3A_406 = tpu.memref_slice %arg4[%add3A_402] : memref<25165824xf32, #tpu.memory_space<hbm>> -> memref<81920xf32, #tpu.memory_space<hbm>>
            %dma_wait3A_407 = tpu.memref_slice %arg5[%mul3A_399] : memref<1835008xf32, #tpu.memory_space<vmem_shared>> -> memref<81920xf32, #tpu.memory_space<vmem_shared>>
            tpu.wait_dma2 semaphore(%run_scoped3A_403 : memref<!tpu.dma_semaphore, #tpu.memory_space<semaphore_mem>>) src(%dma_wait3A_407 : memref<81920xf32, #tpu.memory_space<vmem_shared>>) dst(%dma_wait3A_406 : memref<81920xf32, #tpu.memory_space<hbm>>)
            tpu.yield
          }) : () -> ()
        } else {
        }
      }
      %scan3A_13 = arith.constant 7 : i32
      tpu.yield
    }) : () -> ()
    return
  }
}

</mosaic_0001>

<sc_bundles>
// kernel: _unpool.3.cloned.1.call-start
scs
__scs_entry_jumppad:
0x0: {  	(pc) =	sbr.rel $0x88, $3  }
0x1: {  	(tag) =	ssettag $0x0;
	lr =	simm.s32 $0x1  }
0x2: {  	[smem:$0x3F9F] =	sst lr;
	_ =	strace $0xD0000000  }
0x3: {  	_ = 	snop  }
0x4: {  	_ = 	snop  }
0x5: {  	_ = 	snop  }
0x6: {  	_ = 	snop  }
0x7: {  	_ = 	snop  }
__scs_overlays_trampoline_lowered:
0x8: {  	[smem:$0x3FAE] =	sst s0  }
0x9: {  	[smem:$0x3FAF] =	sst s1  }
0xa: {  	[smem:$0x3FB0] =	sst s2  }
0xb: {  	[smem:$0x3FB1] =	sst s3  }
0xc: {  	[smem:$0x3FB2] =	sst s4  }
0xd: {  	[smem:$0x3FB3] =	sst s5  }
0xe: {  	[smem:$0x3FB4] =	sst s6  }
0xf: {  	[smem:$0x3FB5] =	sst s7  }
0x10: {  	[smem:$0x3FB6] =	sst s8  }
0x11: {  	[smem:$0x3FB7] =	sst s9;
	s0 =	simm.s32 @!p0 $0x0  }
0x12: {  	s1 =	sld [smem:$0x3F9D];
	s0 =	simm.s32 @p0 $0x1  }
0x13: {  	[smem:$0x3FB8] =	sst s0;
	s0 =	simm.s32 @!p1 $0x0  }
0x14: {  	s2 =	sld [smem:$0x3F9C];
	s0 =	simm.s32 @p1 $0x1  }
0x15: {  	[smem:$0x3FB9] =	sst s0;
	s0 =	simm.s32 @!p2 $0x0  }
0x16: {  	s3 =	sld [smem:$0x3FDB];
	s0 =	simm.s32 @p2 $0x1  }
0x17: {  	s4 =	simm.s32 $0x1BF5;
	[smem:$0x3FBB] =	sst s0  }
0x18: {  	s0 =	sld [smem:$0x3F9E];
	_ =	swait.ge [sflag:s4], $0x0  }
0x19: {  	s7 =	sld [smem:$0x3F9F]  }
0x1a: {  	s8 =	sadd.s32 $0xFFFFE003, lr  }
0x1b: {  	s9 =	sadd.s32 $0xFFFFFEF7, lr;
	s5 =	simm.s32 $0xFFFFFFFF;
	p2 =	slt.u32 s8, $0xFFFFF086  }
0x1c: {  	p1 =	slt.u32 s9, $0xF7A;
	s5 =	simm.s32 @!p2 $0x0  }
0x1d: {  	s5 =	simm.s32 @p1 $0x1;
	p0 =	seq.s32 s7, s2  }
0x1e: {  	s7 =	smul.u32 @!p0 $0xF7A, s2;
	p2 =	seq.s32 @!p0 s5, $0x0  }
0x1f: {  	s9 =	smul.u32 $0xF7A, s1;
	s8 =	simm.s32 @!p0 $0x1BF5;
	p2 =	por !p2, p0  }
0x20: {  	[sflag:s8] =	ssyncset.s32 @!p0 $0xFFFFF086;
	s6 =	sadd.s32 @!p0 s3, s7;
	s7 =	simm.s32 @!p0 $0x108  }
0x21: {  	s3 =	sadd.s32 s3, s9;
	s6 =	sadd.s32 @!p0 $0x88, s6;
	s7 =	simm.s32 @p2 $0x1082  }
0x22: {  	[simem:s7], [sflag:s8] =	dma.local @!p0 [hbm:s6], $0xF7A  }
0x23: {  	s9 =	sor.u32 $0xD0000000, s2;
	s6 =	simm.s32 $0x108;
	_ =	swait.ge @!p0 [sflag:s8], $0x0  }
0x24: {  	s3 =	sadd.s32 $0x88, s3;
	s6 =	simm.s32 @!p1 $0x1082;
	[sflag:s4] =	ssyncset.s32 $0xFFFFF086  }
0x25: {  	[simem:s6], [sflag:s4] =	dma.local [hbm:s3], $0xF7A  }
0x26: {  	[smem:$0x3F9F] =	sst s1;
	(tag) =	ssettag s2;
	_ =	strace s9  }
0x27: {  	s1 =	sld [smem:$0x3FAF]  }
0x28: {  	s2 =	sld [smem:$0x3FB0]  }
0x29: {  	s4 =	sld [smem:$0x3FB2]  }
0x2a: {  	p0 =	seq.s32 s5, $0x0;
	s5 =	sld [smem:$0x3FB3]  }
0x2b: {  	s6 =	sld [smem:$0x3FB4]  }
0x2c: {  	s7 =	sld [smem:$0x3FB5]  }
0x2d: {  	s3 =	simm.s32 $0x108;
	s8 =	sld [smem:$0x3FB6]  }
0x2e: {  	s3 =	simm.s32 @!p0 $0x1082;
	s9 =	sld [smem:$0x3FB7]  }
0x2f: {  	lr =	sadd.s32 s0, s3;
	s0 =	sld [smem:$0x3FAE]  }
0x30: {  	s3 =	sld [smem:$0x3FB1]  }
0x31: {  	[smem:$0x3FBA] =	sst s10  }
0x32: {  	s10 =	sld [smem:$0x3FB8];
	_ =	sdelay $0x3  }
0x33: {  	p0 =	seq.s32 s10, $0x1;
	s10 =	sld [smem:$0x3FBA];
	_ =	sdelay $0x3  }
0x34: {  	[smem:$0x3FBA] =	sst s10  }
0x35: {  	s10 =	sld [smem:$0x3FB9];
	_ =	sdelay $0x3  }
0x36: {  	p1 =	seq.s32 s10, $0x1;
	s10 =	sld [smem:$0x3FBA];
	_ =	sdelay $0x3  }
0x37: {  	[smem:$0x3FBA] =	sst s10  }
0x38: {  	s10 =	sld [smem:$0x3FBB]  }
0x39: {  	_ = 	snop;
	(pc) =	sbr.ind lr, $3  }
0x3a: {  	_ = 	snop  }
0x3b: {  	_ = 	snop  }
0x3c: {  	p2 =	seq.s32 s10, $0x1;
	s10 =	sld [smem:$0x3FBA]  }
0x3d: {  	_ =	shalt  }
0x3e: {  	_ =	shalt  }
0x3f: {  	_ =	shalt  }
0x40: {  	_ =	shalt  }
0x41: {  	_ =	shalt  }
0x42: {  	_ =	shalt  }
0x43: {  	_ =	shalt  }
0x44: {  	_ =	shalt  }
0x45: {  	_ =	shalt  }
0x46: {  	_ =	shalt  }
0x47: {  	_ =	shalt  }
0x48: {  	_ =	shalt  }
0x49: {  	_ =	shalt  }
0x4a: {  	_ =	shalt  }
0x4b: {  	_ =	shalt  }
0x4c: {  	_ =	shalt  }
0x4d: {  	_ =	shalt  }
0x4e: {  	_ =	shalt  }
0x4f: {  	_ =	shalt  }
0x50: {  	_ =	shalt  }
0x51: {  	_ =	shalt  }
0x52: {  	_ =	shalt  }
0x53: {  	_ =	shalt  }
0x54: {  	_ =	shalt  }
0x55: {  	_ =	shalt  }
0x56: {  	_ =	shalt  }
0x57: {  	_ =	shalt  }
0x58: {  	_ =	shalt  }
0x59: {  	_ =	shalt  }
0x5a: {  	_ =	shalt  }
0x5b: {  	_ =	shalt  }
0x5c: {  	_ =	shalt  }
0x5d: {  	_ =	shalt  }
0x5e: {  	_ =	shalt  }
0x5f: {  	_ =	shalt  }
0x60: {  	_ =	shalt  }
0x61: {  	_ =	shalt  }
0x62: {  	_ =	shalt  }
0x63: {  	_ =	shalt  }
0x64: {  	_ =	shalt  }
0x65: {  	_ =	shalt  }
0x66: {  	_ =	shalt  }
0x67: {  	_ =	shalt  }
0x68: {  	_ =	shalt  }
0x69: {  	_ =	shalt  }
0x6a: {  	_ =	shalt  }
0x6b: {  	_ =	shalt  }
0x6c: {  	_ =	shalt  }
0x6d: {  	_ =	shalt  }
0x6e: {  	_ =	shalt  }
0x6f: {  	_ =	shalt  }
0x70: {  	_ =	shalt  }
0x71: {  	_ =	shalt  }
0x72: {  	_ =	shalt  }
0x73: {  	_ =	shalt  }
0x74: {  	_ =	shalt  }
0x75: {  	_ =	shalt  }
0x76: {  	_ =	shalt  }
0x77: {  	_ =	shalt  }
0x78: {  	_ =	shalt  }
0x79: {  	_ =	shalt  }
0x7a: {  	_ =	shalt  }
0x7b: {  	_ =	shalt  }
0x7c: {  	_ =	shalt  }
0x7d: {  	_ =	shalt  }
0x7e: {  	_ =	shalt  }
0x7f: {  	_ =	shalt  }
0x80: {  	_ =	shalt  }
0x81: {  	_ =	shalt  }
0x82: {  	_ =	shalt  }
0x83: {  	_ =	shalt  }
0x84: {  	_ =	shalt  }
0x85: {  	_ =	shalt  }
0x86: {  	_ =	shalt  }
0x87: {  	_ =	shalt  }
.Lfunc_end0:
.L_simem_size_0:
called_computation_lowered:
.L_overlay_start_0:
0x88: {  	s2 =	sld [smem:$0x3FD9]  }
0x89: {  	s3 =	sld [smem:$0x3FFE];
	_ =	sdelay $0x1  }
0x8a: {  	s1 =	srdreg.scid  }
0x8b: {  	s0 =	sand.u32 $0x1, s1  }
0x8c: {  	s18 =	sshll.u32 s0, $0xA;
	s2 =	sadd.s32 s3, s2  }
0x8d: {  	s2 =	sadd.s32 s2, s18  }
0x8e: {  	[smem:$0x3FC6] =	sst s2  }
0x8f: {  	_ = 	snop  }
0x90: {  	s2 =	sld [smem:$0x3FC9]  }
0x91: {  	s19 =	sld [smem:$0x3FC8]  }
0x92: {  	s4 =	sld [smem:$0x3FD0];
	(tm) =	ssettm $0x1  }
0x93: {  	s5 =	sld [smem:$0x3FFB];
	_ =	sdelay $0x3  }
0x94: {  	_ =	strace s5  }
0x95: {  	s5 =	sld [smem:$0x3FFC];
	_ =	sdelay $0x3  }
0x96: {  	_ =	strace s5  }
0x97: {  	s5 =	sld [smem:$0x3FFD];
	_ =	sdelay $0x3  }
0x98: {  	_ =	strace s5  }
0x99: {  	_ =	strace $0x8FFFFFFF  }
0x9a: {  	s20 =	sld [smem:$0x3FDB];
	_ =	sdelay $0x1  }
0x9b: {  	s6 =	simm.s32 $_scs_section_size  }
0x9c: {  	s7 =	simm.s32 $_size__tile_overlayer_lowered;
	s8 =	simm.s32 $_tile_overlayer_lowered  }
0x9d: {  	s23 =	simm.s32 $0x1BFF;
	s22 =	sshll.u32 s8, $0x1;
	s5 =	sadd.s32 s6, s20  }
0x9e: {  	s9 =	simm.s32 $0x0;
	s21 =	sshll.u32 s7, $0x1;
	s7 =	sadd.s32 s22, s5  }
0x9f: {  	[timem:s9], [sflag:s23] =	dma.local [hbm:s7], s21  }
0xa0: {  	_ =	swait.ge [sflag:s23], s21  }
0xa1: {  	s6 =	ssub.s32 $0x0, s21;
	[sflag:s23] =	ssyncset.done $0x0  }
0xa2: {  	[sflag:s23] =	ssyncadd.s32 s6;
	_ =	sdelay $0x1  }
0xa3: {  	s24 =	simm.s32 $0x1B8B  }
0xa4: {  	_ =	swait.ge [sflag:s24], $0x1  }
0xa5: {  	[sflag:s24] =	ssyncset.done $0x0  }
0xa6: {  	s25 =	simm.s32 $0x1B8E;
	[sflag:s24] =	ssyncadd.s32 $0xFFFFFFFF  }
0xa7: {  	s26 =	simm.s32 $execute0_lowered;
	[smem:$0x3FD2] =	sst s25  }
0xa8: {  	s6 =	sshll.u32 s26, $0x1;
	_ =	strace $0x80000046;
	[dreg:$0x1] =	wrdreg $0xFFFFFFFF  }
0xa9: {  	s28 =	simm.s32 $_size_execute0_lowered;
	s5 =	sadd.s32 s5, s6;
	[dreg:$0x0] =	wrdreg $0x0  }
0xaa: {  	s6 =	sshll.u32 s28, $0x1;
	[dreg:$0x2] =	wrdreg s5  }
0xab: {  	[dreg:$0x3] =	wrdreg s6  }
0xac: {  	[dreg:$0x4] =	wrdreg $0xC0  }
0xad: {  	_ =	task [dreg:s9], $0x5FFFF  }
0xae: {  	[dreg:$0x1] =	wrdreg $0xFFFFFFFF  }
0xaf: {  	[dreg:$0x0] =	wrdreg $0x60  }
0xb0: {  	[dreg:$0x2] =	wrdreg s2  }
0xb1: {  	[dreg:$0x3] =	wrdreg s19  }
0xb2: {  	[dreg:$0x4] =	wrdreg s4  }
0xb3: {  	[dreg:$0x5] =	wrdreg $0x0  }
0xb4: {  	[dreg:$0x6] =	wrdreg $0x9  }
0xb5: {  	_ =	task.clear_ibuf [dreg:s9], $0x7FFFF;
	_ =	strace $0x90000046  }
0xb6: {  	s29 =	simm.s32 $0x9;
	_ =	strace $0x80000048  }
0xb7: {  	_ =	swait.ge [sflag:s29], $0x1  }
0xb8: {  	[sflag:s29] =	ssyncadd.s32 $0xFFFFFFFF  }
0xb9: {  	_ =	strace $0x90000048  }
0xba: {  	_ =	sfence  }
0xbb: {  	s30 =	sld [smem:$0x0];
	_ =	sdelay $0x2  }
0xbc: {  	s31 =	sshll.u32 s1, $0xD;
	s1 =	sshrl.u32 s1, $0x2  }
0xbd: {  	s3 =	sand.u32 $0x4000, s31;
	s1 =	sadd.s32 s1, s30  }
0xbe: {  	s0 =	sor.u32 s3, s0;
	s1 =	sshll.u32 s1, $0x11  }
0xbf: {  	s0 =	sor.u32 s1, s0  }
0xc0: {  	s0 =	sadd.s32 $0x8F2B, s0  }
0xc1: {  	[sflag:s0] =	ssyncadd.remote.s32 $0x1  }
0xc2: {  	_ =	sfence.sel $0xFFFF  }
0xc3: {  	[dreg:$0x0] =	wrdreg $0xFFFFFFFF;
	(pc) =	sbr.abs _section_cstart, $3  }
0xc4: {  	[dreg:$0x1] =	wrdreg $0xFFFFFFFF  }
0xc5: {  	_ =	task.clear_ibuf [dreg:s9], $0x2FFFF;
	_ =	strace $0x9FFFFFFF  }
0xc6: {  	(tm) =	ssettm $0x7FFFFFFF  }
0xc7: {  	_ =	shalt  }
tec
execute0_lowered:
.L_overlay_start_1:
0x0: {  	(tag) =	ssettag $0x1  }
0x1: {  	s1 =	rddreg [dreg:$0x0]  }
0x2: {  	s2 =	rddreg [dreg:$0x1]  }
0x3: {  	s7 =	rddreg [dreg:$0x2];
	s6 =	stileid.u32  }
0x4: {  	s0 =	srdreg.scid;
	s4 =	smul.u32 $0x1C000, s6  }
0x5: {  	s5 =	rddreg [dreg:$0x3];
	s8 =	simm.s32 $0x0;
	s19 =	smul.u32 $0x60000, s6  }
0x6: {  	s0 =	sand.u32 $0x1, s0;
	[smem:$0x7FF] =	sst s8;
	s6 =	smul.u32 $0x14000, s6  }
0x7: {  	[dreg:$0x5] =	wrdreg s0  }
0x8: {  	[dreg:$0x6] =	wrdreg s4;
	s9 =	sadd.s32 s4, s5;
	s11 =	sadd.s32 s6, s5  }
0x9: {  	_ =	strace $0x80000047;
	s16 =	sadd.s32 $0x1000, s9;
	[dreg:$0x14] =	wrdreg s11  }
0xa: {  	s17 =	sadd.s32 $0x2000, s9;
	[dreg:$0x8] =	wrdreg s16  }
0xb: {  	s28 =	simm.s32 $0x1000;
	s18 =	sadd.s32 $0x3000, s9;
	[dreg:$0x9] =	wrdreg s17  }
0xc: {  	s29 =	simm.s32 $0x2;
	s4 =	sadd.s32 $0x4000, s9;
	[dreg:$0xa] =	wrdreg s18  }
0xd: {  	s30 =	simm.s32 $0x3;
	s20 =	sadd.s32 $0x5000, s9;
	[dreg:$0xb] =	wrdreg s4  }
0xe: {  	s31 =	simm.s32 $0x4;
	s21 =	sadd.s32 $0x6000, s9;
	[dreg:$0xc] =	wrdreg s20  }
0xf: {  	s23 =	sshrl.u32 s19, $0x3;
	s22 =	sadd.s32 $0x7000, s9;
	[dreg:$0xd] =	wrdreg s21  }
0x10: {  	s0 =	ssub.s32 $0x2, s0;
	s10 =	sadd.s32 s1, s23;
	[dreg:$0xe] =	wrdreg s22  }
0x11: {  	s3 =	sshrl.u32 s0, $0x1;
	s24 =	sadd.s32 s2, s23;
	[dreg:$0xf] =	wrdreg s10  }
0x12: {  	s26 =	sshrl.u32 s6, $0x3;
	s12 =	sadd.s32 $0x8000, s9;
	[dreg:$0x10] =	wrdreg s24  }
0x13: {  	s0 =	ssub.s32 s0, s3;
	s13 =	sadd.s32 $0x9000, s9;
	[dreg:$0x16] =	wrdreg s12  }
0x14: {  	s14 =	sadd.s32 $0xA000, s9;
	s15 =	sadd.s32 $0xB000, s9;
	[dreg:$0x17] =	wrdreg s13  }
0x15: {  	s11 =	sadd.s32 $0x15000, s9;
	s4 =	sor.u32 $0x200, s23;
	[dreg:$0x18] =	wrdreg s14  }
0x16: {  	s21 =	sor.u32 $0x2000, s19;
	s0 =	smax.u32 s0, $0x1;
	[dreg:$0x19] =	wrdreg s15  }
0x17: {  	s22 =	sor.u32 $0x3000, s19;
	s16 =	sadd.s32 $0xC000, s9;
	[dreg:$0x15] =	wrdreg s0  }
0x18: {  	s10 =	sadd.s32 s7, s26;
	s17 =	sadd.s32 $0xD000, s9;
	[dreg:$0x1a] =	wrdreg s16  }
0x19: {  	s18 =	sadd.s32 $0xE000, s9;
	s19 =	sadd.s32 $0xF000, s9;
	[dreg:$0x1b] =	wrdreg s17  }
0x1a: {  	s20 =	sadd.s32 $0x10000, s9;
	s23 =	sadd.s32 $0x11000, s9;
	[dreg:$0x1c] =	wrdreg s18  }
0x1b: {  	s24 =	sadd.s32 $0x12000, s9;
	s26 =	sadd.s32 $0x14000, s9;
	[dreg:$0x1d] =	wrdreg s19  }
0x1c: {  	s12 =	sadd.s32 $0x16000, s9;
	s13 =	sadd.s32 $0x17000, s9;
	[dreg:$0x1e] =	wrdreg s20  }
0x1d: {  	s14 =	sadd.s32 $0x18000, s9;
	s15 =	sadd.s32 $0x19000, s9;
	[dreg:$0x1f] =	wrdreg s23  }
0x1e: {  	s25 =	sadd.s32 s1, s4;
	s4 =	sadd.s32 s2, s4;
	[smem:$0x7FB] =	sst s24  }
0x1f: {  	s3 =	sadd.s32 $0x2D8000, s10;
	[smem:$0x7FD] =	sst s26;
	s16 =	sadd.s32 $0x1A000, s9  }
0x20: {  	s17 =	sadd.s32 $0x1B000, s9;
	s18 =	simm.s32 $0x1D000;
	[dreg:$0x11] =	wrdreg s25  }
0x21: {  	s19 =	simm.s32 $0x5;
	s20 =	simm.s32 $0x1C000;
	[dreg:$0x12] =	wrdreg s4  }
0x22: {  	s23 =	simm.s32 $0x1E000;
	[dreg:$0x13] =	wrdreg s3;
	s25 =	sadd.s32 $0x13000, s9  }
0x23: {  	v0 =	vimm.f32 $0.0e+00;
	s24 =	simm.s32 $0x1F000;
	s26 =	simm.s32 $0x1;
	[smem:$0x7FC] =	sst s25  }
.LBB2_1:
0x24: {  	[dreg:$0x7] =	wrdreg s8;
	s3 =	simm.s32 $0x0  }
.LBB2_2:
0x25: {  	s0 =	simm.s32 $0x40;
	s4 =	simm.s32 $0x0  }
.LBB2_3:
0x26: {  	p0 =	sne.s32 s0, $0x3FC0;
	[tilespmem:s4+$0x1D000] =	vst v0;
	s4 =	smov.u32 s0;
	s0 =	sadd.s32 $0x40, s0  }
.Ltmp0:
0x27: {  	(pc) =	sbr.rel @p0 .LBB2_3-.Ltmp0, $2  }
0x28: {  	_ =	sdelay $0x2  }
0x29: {  	s4 =	sshra.s32 s4, $0x2  }
0x2a: {  	[tilespmem:s4+$0x1D000] =	vst v0;
	s0 =	rddreg [dreg:$0x8]  }
0x2b: {  	[spmem:s9] =	stream.linear.scatter [tilespmem:s18], [sflag:$0x5], $0x1000, $0x38;
	v63 =	vld [tilespmem:$0x0]  }
0x2c: {  	s6 =	rddreg [dreg:$0x9]  }
0x2d: {  	[spmem:s0] =	stream.linear.scatter [tilespmem:s18], [sflag:$0x5], $0x1000, $0x38;
	v63 =	vld [tilespmem:$0x0]  }
0x2e: {  	s7 =	rddreg [dreg:$0xa]  }
0x2f: {  	[spmem:s6] =	stream.linear.scatter [tilespmem:s18], [sflag:$0x5], $0x1000, $0x38;
	v63 =	vld [tilespmem:$0x0]  }
0x30: {  	s8 =	rddreg [dreg:$0xb]  }
0x31: {  	[spmem:s7] =	stream.linear.scatter [tilespmem:s18], [sflag:$0x5], $0x1000, $0x38;
	v63 =	vld [tilespmem:$0x0]  }
0x32: {  	s10 =	rddreg [dreg:$0xc]  }
0x33: {  	[spmem:s8] =	stream.linear.scatter [tilespmem:s18], [sflag:$0x5], $0x1000, $0x38;
	v63 =	vld [tilespmem:$0x0]  }
0x34: {  	s25 =	rddreg [dreg:$0xd]  }
0x35: {  	[spmem:s10] =	stream.linear.scatter [tilespmem:s18], [sflag:$0x5], $0x1000, $0x38;
	v63 =	vld [tilespmem:$0x0]  }
0x36: {  	s4 =	rddreg [dreg:$0xe]  }
0x37: {  	[spmem:s25] =	stream.linear.scatter [tilespmem:s18], [sflag:$0x5], $0x1000, $0x38;
	v63 =	vld [tilespmem:$0x0]  }
0x38: {  	s6 =	rddreg [dreg:$0x16]  }
0x39: {  	[spmem:s4] =	stream.linear.scatter [tilespmem:s18], [sflag:$0x5], $0x1000, $0x38;
	v63 =	vld [tilespmem:$0x0]  }
0x3a: {  	s7 =	rddreg [dreg:$0x17]  }
0x3b: {  	[spmem:s6] =	stream.linear.scatter [tilespmem:s18], [sflag:$0x5], $0x1000, $0x38;
	v63 =	vld [tilespmem:$0x0]  }
0x3c: {  	s8 =	rddreg [dreg:$0x18]  }
0x3d: {  	[spmem:s7] =	stream.linear.scatter [tilespmem:s18], [sflag:$0x5], $0x1000, $0x38;
	v63 =	vld [tilespmem:$0x0]  }
0x3e: {  	s10 =	rddreg [dreg:$0x19]  }
0x3f: {  	[spmem:s8] =	stream.linear.scatter [tilespmem:s18], [sflag:$0x5], $0x1000, $0x38;
	v63 =	vld [tilespmem:$0x0]  }
0x40: {  	s25 =	rddreg [dreg:$0x1a]  }
0x41: {  	[spmem:s10] =	stream.linear.scatter [tilespmem:s18], [sflag:$0x5], $0x1000, $0x38;
	v63 =	vld [tilespmem:$0x0]  }
0x42: {  	s4 =	rddreg [dreg:$0x1b]  }
0x43: {  	[spmem:s25] =	stream.linear.scatter [tilespmem:s18], [sflag:$0x5], $0x1000, $0x38;
	v63 =	vld [tilespmem:$0x0]  }
0x44: {  	s6 =	rddreg [dreg:$0x1c]  }
0x45: {  	[spmem:s4] =	stream.linear.scatter [tilespmem:s18], [sflag:$0x5], $0x1000, $0x38;
	v63 =	vld [tilespmem:$0x0]  }
0x46: {  	s7 =	rddreg [dreg:$0x1d]  }
0x47: {  	[spmem:s6] =	stream.linear.scatter [tilespmem:s18], [sflag:$0x5], $0x1000, $0x38;
	v63 =	vld [tilespmem:$0x0]  }
0x48: {  	s8 =	rddreg [dreg:$0x1e]  }
0x49: {  	[spmem:s7] =	stream.linear.scatter [tilespmem:s18], [sflag:$0x5], $0x1000, $0x38;
	v63 =	vld [tilespmem:$0x0]  }
0x4a: {  	s10 =	rddreg [dreg:$0x1f]  }
0x4b: {  	[spmem:s8] =	stream.linear.scatter [tilespmem:s18], [sflag:$0x5], $0x1000, $0x38;
	v63 =	vld [tilespmem:$0x0]  }
0x4c: {  	s25 =	sld [smem:$0x7FB]  }
0x4d: {  	[spmem:s10] =	stream.linear.scatter [tilespmem:s18], [sflag:$0x5], $0x1000, $0x38;
	v63 =	vld [tilespmem:$0x0]  }
0x4e: {  	s4 =	sld [smem:$0x7FC]  }
0x4f: {  	[spmem:s25] =	stream.linear.scatter [tilespmem:s18], [sflag:$0x5], $0x1000, $0x38;
	v63 =	vld [tilespmem:$0x0]  }
0x50: {  	s6 =	sld [smem:$0x7FD]  }
0x51: {  	[spmem:s4] =	stream.linear.scatter [tilespmem:s18], [sflag:$0x5], $0x1000, $0x38;
	v63 =	vld [tilespmem:$0x0]  }
0x52: {  	_ = 	snop  }
0x53: {  	[spmem:s6] =	stream.linear.scatter [tilespmem:s18], [sflag:$0x5], $0x1000, $0x38;
	v63 =	vld [tilespmem:$0x0]  }
0x54: {  	_ = 	snop  }
0x55: {  	[spmem:s11] =	stream.linear.scatter [tilespmem:s18], [sflag:$0x5], $0x1000, $0x38;
	v63 =	vld [tilespmem:$0x0]  }
0x56: {  	_ = 	snop  }
0x57: {  	[spmem:s12] =	stream.linear.scatter [tilespmem:s18], [sflag:$0x5], $0x1000, $0x38;
	v63 =	vld [tilespmem:$0x0]  }
0x58: {  	_ = 	snop  }
0x59: {  	[spmem:s13] =	stream.linear.scatter [tilespmem:s18], [sflag:$0x5], $0x1000, $0x38;
	v63 =	vld [tilespmem:$0x0]  }
0x5a: {  	_ = 	snop  }
0x5b: {  	[spmem:s14] =	stream.linear.scatter [tilespmem:s18], [sflag:$0x5], $0x1000, $0x38;
	v63 =	vld [tilespmem:$0x0]  }
0x5c: {  	_ = 	snop  }
0x5d: {  	[spmem:s15] =	stream.linear.scatter [tilespmem:s18], [sflag:$0x5], $0x1000, $0x38;
	v63 =	vld [tilespmem:$0x0]  }
0x5e: {  	_ = 	snop  }
0x5f: {  	[spmem:s16] =	stream.linear.scatter [tilespmem:s18], [sflag:$0x5], $0x1000, $0x38;
	v63 =	vld [tilespmem:$0x0]  }
0x60: {  	_ = 	snop  }
0x61: {  	[spmem:s17] =	stream.linear.scatter [tilespmem:s18], [sflag:$0x5], $0x1000, $0x38;
	v63 =	vld [tilespmem:$0x0]  }
0x62: {  	_ =	swait.ge [sflag:s19], $0x1000  }
0x63: {  	[sflag:s19] =	ssyncset.done $0x0  }
0x64: {  	[sflag:s19] =	ssyncadd.s32 $0xFFFFF000  }
0x65: {  	_ =	swait.ge [sflag:s19], $0x1000  }
0x66: {  	[sflag:s19] =	ssyncset.done $0x0  }
0x67: {  	[sflag:s19] =	ssyncadd.s32 $0xFFFFF000  }
0x68: {  	_ =	swait.ge [sflag:s19], $0x1000  }
0x69: {  	[sflag:s19] =	ssyncset.done $0x0  }
0x6a: {  	[sflag:s19] =	ssyncadd.s32 $0xFFFFF000  }
0x6b: {  	_ =	swait.ge [sflag:s19], $0x1000  }
0x6c: {  	[sflag:s19] =	ssyncset.done $0x0  }
0x6d: {  	[sflag:s19] =	ssyncadd.s32 $0xFFFFF000  }
0x6e: {  	_ =	swait.ge [sflag:s19], $0x1000  }
0x6f: {  	[sflag:s19] =	ssyncset.done $0x0  }
0x70: {  	[sflag:s19] =	ssyncadd.s32 $0xFFFFF000  }
0x71: {  	_ =	swait.ge [sflag:s19], $0x1000  }
0x72: {  	[sflag:s19] =	ssyncset.done $0x0  }
0x73: {  	[sflag:s19] =	ssyncadd.s32 $0xFFFFF000  }
0x74: {  	_ =	swait.ge [sflag:s19], $0x1000  }
0x75: {  	[sflag:s19] =	ssyncset.done $0x0  }
0x76: {  	[sflag:s19] =	ssyncadd.s32 $0xFFFFF000  }
0x77: {  	_ =	swait.ge [sflag:s19], $0x1000  }
0x78: {  	[sflag:s19] =	ssyncset.done $0x0  }
0x79: {  	[sflag:s19] =	ssyncadd.s32 $0xFFFFF000  }
0x7a: {  	_ =	swait.ge [sflag:s19], $0x1000  }
0x7b: {  	[sflag:s19] =	ssyncset.done $0x0  }
0x7c: {  	[sflag:s19] =	ssyncadd.s32 $0xFFFFF000  }
0x7d: {  	_ =	swait.ge [sflag:s19], $0x1000  }
0x7e: {  	[sflag:s19] =	ssyncset.done $0x0  }
0x7f: {  	[sflag:s19] =	ssyncadd.s32 $0xFFFFF000  }
0x80: {  	_ =	swait.ge [sflag:s19], $0x1000  }
0x81: {  	[sflag:s19] =	ssyncset.done $0x0  }
0x82: {  	[sflag:s19] =	ssyncadd.s32 $0xFFFFF000  }
0x83: {  	_ =	swait.ge [sflag:s19], $0x1000  }
0x84: {  	[sflag:s19] =	ssyncset.done $0x0  }
0x85: {  	[sflag:s19] =	ssyncadd.s32 $0xFFFFF000  }
0x86: {  	_ =	swait.ge [sflag:s19], $0x1000  }
0x87: {  	[sflag:s19] =	ssyncset.done $0x0  }
0x88: {  	[sflag:s19] =	ssyncadd.s32 $0xFFFFF000  }
0x89: {  	_ =	swait.ge [sflag:s19], $0x1000  }
0x8a: {  	[sflag:s19] =	ssyncset.done $0x0  }
0x8b: {  	[sflag:s19] =	ssyncadd.s32 $0xFFFFF000  }
0x8c: {  	_ =	swait.ge [sflag:s19], $0x1000  }
0x8d: {  	[sflag:s19] =	ssyncset.done $0x0  }
0x8e: {  	[sflag:s19] =	ssyncadd.s32 $0xFFFFF000  }
0x8f: {  	_ =	swait.ge [sflag:s19], $0x1000  }
0x90: {  	[sflag:s19] =	ssyncset.done $0x0  }
0x91: {  	[sflag:s19] =	ssyncadd.s32 $0xFFFFF000  }
0x92: {  	_ =	swait.ge [sflag:s19], $0x1000  }
0x93: {  	[sflag:s19] =	ssyncset.done $0x0  }
0x94: {  	[sflag:s19] =	ssyncadd.s32 $0xFFFFF000  }
0x95: {  	_ =	swait.ge [sflag:s19], $0x1000  }
0x96: {  	[sflag:s19] =	ssyncset.done $0x0  }
0x97: {  	[sflag:s19] =	ssyncadd.s32 $0xFFFFF000  }
0x98: {  	_ =	swait.ge [sflag:s19], $0x1000  }
0x99: {  	[sflag:s19] =	ssyncset.done $0x0  }
0x9a: {  	[sflag:s19] =	ssyncadd.s32 $0xFFFFF000  }
0x9b: {  	_ =	swait.ge [sflag:s19], $0x1000  }
0x9c: {  	[sflag:s19] =	ssyncset.done $0x0  }
0x9d: {  	[sflag:s19] =	ssyncadd.s32 $0xFFFFF000  }
0x9e: {  	_ =	swait.ge [sflag:s19], $0x1000  }
0x9f: {  	[sflag:s19] =	ssyncset.done $0x0  }
0xa0: {  	[sflag:s19] =	ssyncadd.s32 $0xFFFFF000  }
0xa1: {  	_ =	swait.ge [sflag:s19], $0x1000  }
0xa2: {  	[sflag:s19] =	ssyncset.done $0x0  }
0xa3: {  	[sflag:s19] =	ssyncadd.s32 $0xFFFFF000  }
0xa4: {  	_ =	swait.ge [sflag:s19], $0x1000  }
0xa5: {  	[sflag:s19] =	ssyncset.done $0x0  }
0xa6: {  	[sflag:s19] =	ssyncadd.s32 $0xFFFFF000  }
0xa7: {  	_ =	swait.ge [sflag:s19], $0x1000  }
0xa8: {  	[sflag:s19] =	ssyncset.done $0x0  }
0xa9: {  	[sflag:s19] =	ssyncadd.s32 $0xFFFFF000  }
0xaa: {  	_ =	swait.ge [sflag:s19], $0x1000  }
0xab: {  	[sflag:s19] =	ssyncset.done $0x0  }
0xac: {  	[sflag:s19] =	ssyncadd.s32 $0xFFFFF000  }
0xad: {  	_ =	swait.ge [sflag:s19], $0x1000  }
0xae: {  	[sflag:s19] =	ssyncset.done $0x0  }
0xaf: {  	[sflag:s19] =	ssyncadd.s32 $0xFFFFF000  }
0xb0: {  	_ =	swait.ge [sflag:s19], $0x1000  }
0xb1: {  	[sflag:s19] =	ssyncset.done $0x0  }
0xb2: {  	[sflag:s19] =	ssyncadd.s32 $0xFFFFF000  }
0xb3: {  	_ =	swait.ge [sflag:s19], $0x1000  }
0xb4: {  	[sflag:s19] =	ssyncset.done $0x0  }
0xb5: {  	[sflag:s19] =	ssyncadd.s32 $0xFFFFF000  }
0xb6: {  	[bflag:$0x0] =	sbarrier.arrive $0xFFFF  }
0xb7: {  	s7 =	rddreg [dreg:$0xf]  }
0xb8: {  	s25 =	rddreg [dreg:$0x10]  }
0xb9: {  	s8 =	simm.s32 $0x0;
	s10 =	sshll.u32 s3, $0x1;
	s6 =	rddreg [dreg:$0x5]  }
0xba: {  	[tilespmem:s20], [sflag:$0x1] =	stream.linear.gather [hbm4b:s7+s8], $0x1000, $0x38;
	v63 =	vld [tilespmem:$0x0]  }
0xbb: {  	s0 =	sor.u32 s6, s10;
	s7 =	rddreg [dreg:$0x11]  }
0xbc: {  	[tilespmem:s18], [sflag:$0x1] =	stream.linear.gather [hbm4b:s25+s8], $0x1000, $0x38;
	v63 =	vld [tilespmem:$0x0]  }
0xbd: {  	p0 =	seq.s32 s0, $0xD;
	s25 =	smul.u32 $0x1C0000, s0;
	s0 =	simm.s32 $0x140000  }
0xbe: {  	[tilespmem:s23], [sflag:$0x2] =	stream.linear.gather [hbm4b:s7+s8], $0x1000, $0x38;
	v63 =	vld [tilespmem:$0x0]  }
0xbf: {  	s10 =	rddreg [dreg:$0x12];
	s0 =	simm.s32 @!p0 $0x1C0000  }
0xc0: {  	v1 =	vmov s0;
	v2 =	vmov s25;
	[tilespmem:s24], [sflag:$0x2] =	stream.linear.gather [hbm4b:s10+s8], $0x1000, $0x38;
	v63 =	vld [tilespmem:$0x0]  }
.LBB2_5:
0xc1: {  	_ =	swait.ge [sflag:s26], $0x1000  }
0xc2: {  	[sflag:s26] =	ssyncset.done $0x0  }
0xc3: {  	[sflag:s26] =	ssyncadd.s32 $0xFFFFF000  }
0xc4: {  	_ =	swait.ge [sflag:s26], $0x1000  }
0xc5: {  	[sflag:s26] =	ssyncset.done $0x0  }
0xc6: {  	s0 =	simm.s32 $0x0;
	[sflag:s26] =	ssyncadd.s32 $0xFFFFF000  }
0xc7: {  	v3 =	vld [tilespmem:s0+$0x1C030];
	_ =	sdelay $0x1  }
0xc8: {  	v5 =	vld [tilespmem:s0+$0x1C010]  }
0xc9: {  	v6 =	vld [tilespmem:s0+$0x1C020]  }
0xca: {  	v4 =	vld [tilespmem:s0+$0x1D030]  }
0xcb: {  	v3 =	vsub.s32 v3, v2  }
0xcc: {  	v7 =	vld [tilespmem:s0+$0x1D020];
	vm0 =	vlt.u32 v3, v1;
	v8 =	vand.u32 $0xFFFFF, v3  }
0xcd: {  	v9 =	vld [tilespmem:s0+$0x1C000];
	v3 =	vsel vm0, v3, v8  }
0xce: {  	s4 =	simm.s32 $0x40;
	v10 =	vld [tilespmem:s0+$0x1D010];
	v5 =	vsub.s32 v5, v2;
	v12 =	vsub.s32 v6, v2;
	[tilespmem:s0+$0x1C030] =	vst v3  }
0xcf: {  	v8 =	vand.u32 $0xFFFFF, v5;
	v3 =	vnsel vm0, $0x0, v4;
	vm0 =	vlt.u32 v5, v1;
	v11 =	vld [tilespmem:s4+$0x1C030]  }
0xd0: {  	v6 =	vld [tilespmem:s0+$0x1D000];
	vm1 =	vlt.u32 v12, v1;
	[tilespmem:s0+$0x1D030] =	vst v3;
	v3 =	vsel vm0, v5, v8  }
0xd1: {  	v5 =	vand.u32 $0xFFFFF, v12;
	v4 =	vld [tilespmem:s4+$0x1D030];
	[tilespmem:s0+$0x1C010] =	vst v3;
	v3 =	vnsel vm1, $0x0, v7  }
0xd2: {  	v5 =	vsel vm1, v12, v5;
	v8 =	vld [tilespmem:s4+$0x1C010];
	[tilespmem:s0+$0x1D020] =	vst v3  }
0xd3: {  	v62 =	vsub.s32 v9, v2;
	v10 =	vnsel vm0, $0x0, v10;
	[tilespmem:s0+$0x1C020] =	vst v5;
	v3 =	vld [tilespmem:s4+$0x1D020]  }
0xd4: {  	vm0 =	vlt.u32 v62, v1;
	v7 =	vld [tilespmem:s4+$0x1C020];
	[tilespmem:s0+$0x1D010] =	vst v10;
	v9 =	vsub.s32 v11, v2;
	v11 =	vand.u32 $0xFFFFF, v62  }
0xd5: {  	s6 =	simm.s32 $0x200;
	s7 =	simm.s32 $0x300;
	v5 =	vld [tilespmem:s4+$0x1D010];
	vm1 =	vlt.u32 v9, v1;
	v10 =	vand.u32 $0xFFFFF, v9;
	v11 =	vsel vm0, v62, v11  }
.LBB2_6:
0xd6: {  	p1 =	sne.s32 s7, $0x3F00  }
0xd7: {  	s10 =	sshra.s32 s6, $0x2;
	v9 =	vsel vm1, v9, v10;
	[tilespmem:s0+$0x1C000] =	vst v11;
	v6 =	vnsel vm0, $0x0, v6;
	s6 =	smov.u32 s7;
	s7 =	sadd.s32 $0x100, s7  }
0xd8: {  	v4 =	vnsel vm1, $0x0, v4;
	v10 =	vld [tilespmem:s4+$0x1C000];
	v8 =	vsub.s32 v8, v2;
	[tilespmem:s4+$0x1C030] =	vst v9  }
0xd9: {  	v9 =	vld [tilespmem:s10+$0x1C030];
	vm0 =	vlt.u32 v8, v1;
	v11 =	vand.u32 $0xFFFFF, v8;
	v7 =	vsub.s32 v7, v2;
	[tilespmem:s4+$0x1D030] =	vst v4  }
0xda: {  	v4 =	vld [tilespmem:s10+$0x1D030];
	v8 =	vsel vm0, v8, v11;
	vm1 =	vlt.u32 v7, v1;
	v11 =	vand.u32 $0xFFFFF, v7;
	[tilespmem:s0+$0x1D000] =	vst v6;
	s0 =	smov.u32 s4;
	s4 =	smov.u32 s10  }
.Ltmp1:
0xdb: {  	v6 =	vld [tilespmem:s0+$0x1D000];
	[tilespmem:s0+$0x1C010] =	vst v8;
	v5 =	vnsel vm0, $0x0, v5;
	v7 =	vsel vm1, v7, v11;
	v3 =	vnsel vm1, $0x0, v3;
	(pc) =	sbr.rel @p1 .LBB2_6-.Ltmp1, $4  }
0xdc: {  	v8 =	vld [tilespmem:s4+$0x1C010];
	[tilespmem:s0+$0x1C020] =	vst v7  }
0xdd: {  	v7 =	vld [tilespmem:s4+$0x1C020];
	v11 =	vsub.s32 v10, v2;
	[tilespmem:s0+$0x1D020] =	vst v3  }
0xde: {  	v3 =	vld [tilespmem:s4+$0x1D020];
	v9 =	vsub.s32 v9, v2;
	vm0 =	vlt.u32 v11, v1;
	v12 =	vand.u32 $0xFFFFF, v11;
	[tilespmem:s0+$0x1D010] =	vst v5  }
0xdf: {  	v5 =	vld [tilespmem:s4+$0x1D010];
	vm1 =	vlt.u32 v9, v1;
	v10 =	vand.u32 $0xFFFFF, v9;
	v11 =	vsel vm0, v11, v12  }
0xe0: {  	[tilespmem:s0+$0x1C000] =	vst v11  }
0xe1: {  	v9 =	vsel vm1, v9, v10;
	v10 =	vld [tilespmem:s4+$0x1C000]  }
0xe2: {  	s6 =	sshra.s32 s6, $0x2;
	v4 =	vnsel vm1, $0x0, v4;
	v6 =	vnsel vm0, $0x0, v6;
	v8 =	vsub.s32 v8, v2;
	[tilespmem:s4+$0x1C030] =	vst v9  }
0xe3: {  	[tilespmem:s4+$0x1D030] =	vst v4;
	vm1 =	vlt.u32 v8, v1;
	v9 =	vand.u32 $0xFFFFF, v8;
	v11 =	vld [tilespmem:s6+$0x1C030];
	v7 =	vsub.s32 v7, v2  }
0xe4: {  	v4 =	vsel vm1, v8, v9;
	v8 =	vld [tilespmem:s6+$0x1D030];
	vm0 =	vlt.u32 v7, v1;
	v9 =	vand.u32 $0xFFFFF, v7;
	[tilespmem:s0+$0x1D000] =	vst v6  }
0xe5: {  	[tilespmem:s4+$0x1C010] =	vst v4;
	v4 =	vsel vm0, v7, v9;
	v7 =	vld [tilespmem:s4+$0x1D000]  }
0xe6: {  	v6 =	vld [tilespmem:s6+$0x1C010];
	[tilespmem:s4+$0x1C020] =	vst v4;
	v4 =	vsub.s32 v10, v2  }
0xe7: {  	v3 =	vnsel vm0, $0x0, v3;
	v9 =	vld [tilespmem:s6+$0x1C020];
	vm0 =	vlt.u32 v4, v1;
	v10 =	vand.u32 $0xFFFFF, v4  }
0xe8: {  	[tilespmem:s4+$0x1D020] =	vst v3;
	v3 =	vsub.s32 v11, v2;
	v4 =	vsel vm0, v4, v10  }
0xe9: {  	v5 =	vnsel vm1, $0x0, v5;
	v10 =	vld [tilespmem:s6+$0x1D020];
	vm1 =	vlt.u32 v3, v1;
	[tilespmem:s4+$0x1C000] =	vst v4  }
0xea: {  	[tilespmem:s4+$0x1D010] =	vst v5;
	v4 =	vand.u32 $0xFFFFF, v3;
	v8 =	vnsel vm1, $0x0, v8;
	v5 =	vld [tilespmem:s6+$0x1C000]  }
0xeb: {  	v11 =	vld [tilespmem:s6+$0x1D010];
	v3 =	vsel vm1, v3, v4;
	v4 =	vnsel vm0, $0x0, v7;
	v6 =	vsub.s32 v6, v2;
	[tilespmem:s6+$0x1D030] =	vst v8  }
0xec: {  	vm0 =	vlt.u32 v6, v1;
	v7 =	vand.u32 $0xFFFFF, v6;
	v8 =	vsub.s32 v9, v2;
	[tilespmem:s4+$0x1D000] =	vst v4  }
0xed: {  	[tilespmem:s6+$0x1C030] =	vst v3;
	v3 =	vsel vm0, v6, v7;
	vm1 =	vlt.u32 v8, v1;
	v4 =	vand.u32 $0xFFFFF, v8;
	v6 =	vld [tilespmem:s6+$0x1D000]  }
0xee: {  	[tilespmem:s6+$0x1C010] =	vst v3;
	v3 =	vsel vm1, v8, v4  }
0xef: {  	v4 =	vnsel vm1, $0x0, v10;
	[tilespmem:s6+$0x1C020] =	vst v3;
	v3 =	vsub.s32 v5, v2  }
0xf0: {  	[tilespmem:s6+$0x1D020] =	vst v4;
	v5 =	vnsel vm0, $0x0, v11;
	vm0 =	vlt.u32 v3, v1;
	v4 =	vand.u32 $0xFFFFF, v3  }
0xf1: {  	[tilespmem:s6+$0x1D010] =	vst v5;
	v3 =	vsel vm0, v3, v4  }
0xf2: {  	[tilespmem:s6+$0x1C000] =	vst v3;
	v3 =	vnsel vm0, $0x0, v6  }
0xf3: {  	[tilespmem:s6+$0x1D000] =	vst v3  }
0xf4: {  	[spmem:s5] =	stream.indirect.scatter.add.f32 [tilespmem:s18], [sflag:$0x3], $0x1, s20, s28, $0xb8;
	v63 =	vld [tilespmem:$0x0]  }
0xf5: {  	_ =	swait.ge [sflag:s29], $0x1000  }
0xf6: {  	[sflag:s29] =	ssyncset.done $0x0  }
0xf7: {  	[sflag:s29] =	ssyncadd.s32 $0xFFFFF000  }
0xf8: {  	_ =	swait.ge [sflag:s29], $0x1000  }
0xf9: {  	[sflag:s29] =	ssyncset.done $0x0  }
0xfa: {  	s0 =	simm.s32 $0x0;
	[sflag:s29] =	ssyncadd.s32 $0xFFFFF000  }
0xfb: {  	v3 =	vld [tilespmem:s0+$0x1E030];
	_ =	sdelay $0x1  }
0xfc: {  	v5 =	vld [tilespmem:s0+$0x1E010]  }
0xfd: {  	v6 =	vld [tilespmem:s0+$0x1E020]  }
0xfe: {  	v4 =	vld [tilespmem:s0+$0x1F030]  }
0xff: {  	v3 =	vsub.s32 v3, v2  }
0x100: {  	v7 =	vld [tilespmem:s0+$0x1F020];
	vm0 =	vlt.u32 v3, v1;
	v8 =	vand.u32 $0xFFFFF, v3  }
0x101: {  	v9 =	vld [tilespmem:s0+$0x1E000];
	v3 =	vsel vm0, v3, v8  }
0x102: {  	s4 =	simm.s32 $0x40;
	v10 =	vld [tilespmem:s0+$0x1F010];
	v5 =	vsub.s32 v5, v2;
	v12 =	vsub.s32 v6, v2;
	[tilespmem:s0+$0x1E030] =	vst v3  }
0x103: {  	v8 =	vand.u32 $0xFFFFF, v5;
	v3 =	vnsel vm0, $0x0, v4;
	vm0 =	vlt.u32 v5, v1;
	v11 =	vld [tilespmem:s4+$0x1E030]  }
0x104: {  	v6 =	vld [tilespmem:s0+$0x1F000];
	vm1 =	vlt.u32 v12, v1;
	[tilespmem:s0+$0x1F030] =	vst v3;
	v3 =	vsel vm0, v5, v8  }
0x105: {  	v5 =	vand.u32 $0xFFFFF, v12;
	v4 =	vld [tilespmem:s4+$0x1F030];
	[tilespmem:s0+$0x1E010] =	vst v3;
	v3 =	vnsel vm1, $0x0, v7  }
0x106: {  	v5 =	vsel vm1, v12, v5;
	v8 =	vld [tilespmem:s4+$0x1E010];
	[tilespmem:s0+$0x1F020] =	vst v3  }
0x107: {  	v62 =	vsub.s32 v9, v2;
	v10 =	vnsel vm0, $0x0, v10;
	[tilespmem:s0+$0x1E020] =	vst v5;
	v3 =	vld [tilespmem:s4+$0x1F020]  }
0x108: {  	vm0 =	vlt.u32 v62, v1;
	v7 =	vld [tilespmem:s4+$0x1E020];
	[tilespmem:s0+$0x1F010] =	vst v10;
	v9 =	vsub.s32 v11, v2;
	v11 =	vand.u32 $0xFFFFF, v62  }
0x109: {  	s7 =	simm.s32 $0x300;
	s6 =	simm.s32 $0x200;
	v5 =	vld [tilespmem:s4+$0x1F010];
	vm1 =	vlt.u32 v9, v1;
	v10 =	vand.u32 $0xFFFFF, v9;
	v11 =	vsel vm0, v62, v11  }
.LBB2_8:
0x10a: {  	p1 =	sne.s32 s7, $0x3F00  }
0x10b: {  	s10 =	sshra.s32 s6, $0x2;
	v9 =	vsel vm1, v9, v10;
	[tilespmem:s0+$0x1E000] =	vst v11;
	v6 =	vnsel vm0, $0x0, v6;
	s6 =	smov.u32 s7;
	s7 =	sadd.s32 $0x100, s7  }
0x10c: {  	v4 =	vnsel vm1, $0x0, v4;
	v10 =	vld [tilespmem:s4+$0x1E000];
	v8 =	vsub.s32 v8, v2;
	[tilespmem:s4+$0x1E030] =	vst v9  }
0x10d: {  	v9 =	vld [tilespmem:s10+$0x1E030];
	vm0 =	vlt.u32 v8, v1;
	v11 =	vand.u32 $0xFFFFF, v8;
	v7 =	vsub.s32 v7, v2;
	[tilespmem:s4+$0x1F030] =	vst v4  }
0x10e: {  	v4 =	vld [tilespmem:s10+$0x1F030];
	v8 =	vsel vm0, v8, v11;
	vm1 =	vlt.u32 v7, v1;
	v11 =	vand.u32 $0xFFFFF, v7;
	[tilespmem:s0+$0x1F000] =	vst v6;
	s0 =	smov.u32 s4;
	s4 =	smov.u32 s10  }
.Ltmp2:
0x10f: {  	v6 =	vld [tilespmem:s0+$0x1F000];
	[tilespmem:s0+$0x1E010] =	vst v8;
	v5 =	vnsel vm0, $0x0, v5;
	v7 =	vsel vm1, v7, v11;
	v3 =	vnsel vm1, $0x0, v3;
	(pc) =	sbr.rel @p1 .LBB2_8-.Ltmp2, $4  }
0x110: {  	v8 =	vld [tilespmem:s4+$0x1E010];
	[tilespmem:s0+$0x1E020] =	vst v7  }
0x111: {  	v7 =	vld [tilespmem:s4+$0x1E020];
	v11 =	vsub.s32 v10, v2;
	[tilespmem:s0+$0x1F020] =	vst v3  }
0x112: {  	v3 =	vld [tilespmem:s4+$0x1F020];
	v9 =	vsub.s32 v9, v2;
	vm0 =	vlt.u32 v11, v1;
	v12 =	vand.u32 $0xFFFFF, v11;
	[tilespmem:s0+$0x1F010] =	vst v5  }
0x113: {  	v5 =	vld [tilespmem:s4+$0x1F010];
	vm1 =	vlt.u32 v9, v1;
	v10 =	vand.u32 $0xFFFFF, v9;
	v11 =	vsel vm0, v11, v12  }
0x114: {  	[tilespmem:s0+$0x1E000] =	vst v11  }
0x115: {  	v9 =	vsel vm1, v9, v10;
	v41 =	vld [tilespmem:s4+$0x1E000]  }
0x116: {  	s6 =	sshra.s32 s6, $0x2;
	v4 =	vnsel vm1, $0x0, v4;
	v6 =	vnsel vm0, $0x0, v6;
	v8 =	vsub.s32 v8, v2;
	[tilespmem:s4+$0x1E030] =	vst v9  }
0x117: {  	[tilespmem:s4+$0x1F030] =	vst v4;
	vm9 =	vlt.u32 v8, v1;
	v42 =	vand.u32 $0xFFFFF, v8;
	v11 =	vld [tilespmem:s6+$0x1E030];
	v7 =	vsub.s32 v7, v2  }
0x118: {  	v44 =	vld [tilespmem:s6+$0x1F030];
	[tilespmem:s0+$0x1F000] =	vst v6;
	v43 =	vsel vm9, v8, v42;
	vm10 =	vlt.u32 v7, v1;
	v45 =	vand.u32 $0xFFFFF, v7  }
0x119: {  	v48 =	vld [tilespmem:s4+$0x1F000];
	[tilespmem:s4+$0x1E010] =	vst v43;
	v46 =	vsel vm10, v7, v45  }
0x11a: {  	v3 =	vnsel vm10, $0x0, v3;
	v47 =	vld [tilespmem:s6+$0x1E010];
	[tilespmem:s4+$0x1E020] =	vst v46;
	v49 =	vsub.s32 v41, v2  }
0x11b: {  	v5 =	vnsel vm9, $0x0, v5;
	[tilespmem:s4+$0x1F020] =	vst v3;
	v50 =	vld [tilespmem:s6+$0x1E020];
	vm11 =	vlt.u32 v49, v1;
	v10 =	vand.u32 $0xFFFFF, v49  }
0x11c: {  	v51 =	vld [tilespmem:s6+$0x1F020];
	[tilespmem:s4+$0x1F010] =	vst v5;
	v3 =	vsub.s32 v11, v2;
	v4 =	vsel vm11, v49, v10  }
0x11d: {  	v54 =	vld [tilespmem:s6+$0x1F010];
	vm12 =	vlt.u32 v3, v1;
	[tilespmem:s4+$0x1E000] =	vst v4  }
0x11e: {  	v52 =	vand.u32 $0xFFFFF, v3;
	v8 =	vnsel vm12, $0x0, v44;
	v53 =	vld [tilespmem:s6+$0x1E000]  }
0x11f: {  	v55 =	vnsel vm11, $0x0, v48;
	v3 =	vsel vm12, v3, v52;
	v6 =	vsub.s32 v47, v2;
	[tilespmem:s6+$0x1F030] =	vst v8  }
0x120: {  	vm13 =	vlt.u32 v6, v1;
	v56 =	vand.u32 $0xFFFFF, v6;
	v57 =	vsub.s32 v50, v2;
	[tilespmem:s4+$0x1F000] =	vst v55  }
0x121: {  	[tilespmem:s6+$0x1E030] =	vst v3;
	v3 =	vsel vm13, v6, v56;
	vm14 =	vlt.u32 v57, v1;
	v58 =	vand.u32 $0xFFFFF, v57;
	v59 =	vld [tilespmem:s6+$0x1F000]  }
0x122: {  	[tilespmem:s6+$0x1E010] =	vst v3;
	v3 =	vsel vm14, v57, v58  }
0x123: {  	v61 =	vnsel vm13, $0x0, v54;
	[tilespmem:s6+$0x1E020] =	vst v3;
	v3 =	vsub.s32 v53, v2  }
0x124: {  	v60 =	vnsel vm14, $0x0, v51;
	[tilespmem:s6+$0x1F010] =	vst v61;
	vm15 =	vlt.u32 v3, v1;
	v62 =	vand.u32 $0xFFFFF, v3  }
0x125: {  	[tilespmem:s6+$0x1F020] =	vst v60;
	v3 =	vsel vm15, v3, v62  }
0x126: {  	p1 =	seq.s32 s8, $0x2F;
	[tilespmem:s6+$0x1E000] =	vst v3;
	v3 =	vnsel vm15, $0x0, v59  }
0x127: {  	s0 =	simm.s32 @!p1 $0x3;
	[tilespmem:s6+$0x1F000] =	vst v3  }
0x128: {  	[spmem:s5] =	stream.indirect.scatter.add.f32 [tilespmem:s24], [sflag:$0x4], $0x1, s23, s28, $0xb8;
	v63 =	vld [tilespmem:$0x0]  }
0x129: {  	s4 =	sshll.u32 @!p1 s8, $0xD;
	_ =	swait.ge @!p1 [sflag:s0], $0x1000  }
0x12a: {  	s6 =	sadd.s32 @!p1 s4, s21;
	[sflag:s0] =	ssyncset.done @!p1 $0x0  }
0x12b: {  	[sflag:s0] =	ssyncadd.s32 @!p1 $0xFFFFF000;
	s0 =	sshrl.u32 @!p1 s6, $0x3  }
0x12c: {  	s7 =	simm.s32 @!p1 $0x0;
	s10 =	simm.s32 @!p1 $0x1C000;
	s6 =	sadd.s32 @!p1 s1, s0  }
0x12d: {  	[tilespmem:s10], [sflag:$0x1] =	stream.linear.gather @!p1 [hbm4b:s6+s7], $0x1000, $0x38;
	v63 =	vld [tilespmem:$0x0]  }
0x12e: {  	s0 =	sadd.s32 @!p1 s2, s0;
	s6 =	simm.s32 @!p1 $0x1D000  }
0x12f: {  	[tilespmem:s6], [sflag:$0x1] =	stream.linear.gather @!p1 [hbm4b:s0+s7], $0x1000, $0x38;
	v63 =	vld [tilespmem:$0x0]  }
0x130: {  	s0 =	simm.s32 @!p1 $0x4  }
0x131: {  	s4 =	sadd.s32 @!p1 s4, s22;
	_ =	swait.ge @!p1 [sflag:s0], $0x1000  }
0x132: {  	s8 =	sadd.s32 @!p1 $0x1, s8;
	s4 =	sshrl.u32 @!p1 s4, $0x3;
	[sflag:s0] =	ssyncset.done @!p1 $0x0  }
0x133: {  	s6 =	simm.s32 @!p1 $0x1E000;
	[sflag:s0] =	ssyncadd.s32 @!p1 $0xFFFFF000;
	s0 =	sadd.s32 @!p1 s1, s4  }
0x134: {  	[tilespmem:s6], [sflag:$0x2] =	stream.linear.gather @!p1 [hbm4b:s0+s7], $0x1000, $0x38;
	v63 =	vld [tilespmem:$0x0]  }
0x135: {  	p2 =	sne.s32 @!p1 s8, $0x30;
	s0 =	sadd.s32 @!p1 s2, s4;
	s4 =	simm.s32 @!p1 $0x1F000  }
0x136: {  	[tilespmem:s4], [sflag:$0x2] =	stream.linear.gather @!p1 [hbm4b:s0+s7], $0x1000, $0x38;
	v63 =	vld [tilespmem:$0x0]  }
0x137: {  	p1 =	por p1, !p2  }
.Ltmp3:
0x138: {  	_ = 	snop;
	(pc) =	sbr.rel @!p1 .LBB2_5-.Ltmp3, $1  }
0x139: {  	_ =	sdelay $0x3  }
0x13a: {  	_ =	swait.ge [sflag:s30], $0x1000  }
0x13b: {  	[sflag:s30] =	ssyncset.done $0x0  }
0x13c: {  	[sflag:s30] =	ssyncadd.s32 $0xFFFFF000  }
0x13d: {  	_ =	swait.ge [sflag:s31], $0x1000  }
0x13e: {  	[sflag:s31] =	ssyncset.done $0x0  }
0x13f: {  	[sflag:s31] =	ssyncadd.s32 $0xFFFFF000  }
0x140: {  	s6 =	stileid.u32;
	[bflag:$0x0] =	sbarrier.arrive $0xFFFF  }
0x141: {  	s0 =	sshll.u32 @p0 s6, $0x6;
	s4 =	rddreg [dreg:$0x14]  }
0x142: {  	s0 =	sor.u32 @p0 $0x1C06, s0;
	s7 =	rddreg [dreg:$0x13];
	s4 =	sshrl.u32 @p0 s4, $0x3  }
0x143: {  	[hbm:s7], [sflag:s0] =	dma.local @p0 [spmem:s4], $0x2800  }
0x144: {  	s0 =	simm.s32 @p0 $0x6  }
0x145: {  	_ =	swait.ge @p0 [sflag:s0], $0x2800  }
0x146: {  	s3 =	sadd.s32 $0x1, s3;
	[sflag:s0] =	ssyncset.done @p0 $0x0;
	s4 =	rddreg [dreg:$0x6]  }
0x147: {  	p1 =	sne.s32 s3, $0x7;
	s4 =	sadd.s32 @!p0 s4, s25;
	[sflag:s0] =	ssyncadd.s32 @p0 $0xFFFFD800  }
0x148: {  	s0 =	sshrl.u32 @!p0 s4, $0x3;
	s4 =	sshll.u32 @!p0 s6, $0x6;
	s6 =	rddreg [dreg:$0x2]  }
0x149: {  	s0 =	sadd.s32 @!p0 s6, s0;
	s4 =	sor.u32 @!p0 $0x1C07, s4;
	s6 =	sshrl.u32 @!p0 s9, $0x3  }
0x14a: {  	[hbm:s0], [sflag:s4] =	dma.local @!p0 [spmem:s6], $0x3800  }
.Ltmp4:
0x14b: {  	_ = 	snop;
	(pc) =	sbr.rel @p1 .LBB2_2-.Ltmp4, $4  }
0x14c: {  	s0 =	simm.s32 @!p0 $0x7  }
0x14d: {  	_ =	swait.ge @!p0 [sflag:s0], $0x3800  }
0x14e: {  	[sflag:s0] =	ssyncset.done @!p0 $0x0  }
0x14f: {  	s7 =	stileid.u32;
	[sflag:s0] =	ssyncadd.s32 @!p0 $0xFFFFC800  }
0x150: {  	s8 =	rddreg [dreg:$0x7]  }
0x151: {  	s0 =	rddreg [dreg:$0x15];
	s8 =	sadd.s32 $0x1, s8  }
0x152: {  	p0 =	sne.s32 s8, s0  }
.Ltmp5:
0x153: {  	_ = 	snop;
	(pc) =	sbr.rel @p0 .LBB2_1-.Ltmp5, $1  }
0x154: {  	_ =	sdelay $0x3  }
0x155: {  	_ =	sfence.sel $0x180000  }
0x156: {  	[bflag:$0x0] =	sbarrier.arrive $0xFFFF  }
0x157: {  	_ =	strace $0x90000047  }
0x158: {  	[bflag:$0x2] =	sbarrier.arrive $0xFFFF  }
0x159: {  	p0 =	sne.s32 s7, $0x0;
	s0 =	rddreg [dreg:$0x4]  }
0x15a: {  	s0 =	sadd.s32 @!p0 $0x100000, s0  }
0x15b: {  	[sflag:s0] =	ssyncadd.tile.s32 @!p0 $0x1;
	_ =	shalt  }
.Lfunc_end2:
_tile_overlayer_lowered:
.L_overlay_start_2:
0x15c: {  	(tag) =	ssettag $0x2  }
0x15d: {  	s0 =	rddreg [dreg:$0x0];
	s2 =	stileid.u32  }
0x15e: {  	s1 =	rddreg [dreg:$0x1];
	p0 =	sne.s32 s2, $0x0  }
0x15f: {  	s3 =	rddreg [dreg:$0x2];
	[bflag:$0x3] =	sbarrier.arrive $0xFFFF;
	s2 =	simm.s32 @!p0 $0x1C01  }
0x160: {  	[timem:s3], [sflag:s2] =	dma.local @!p0 [hbm:s0], s1  }
0x161: {  	s0 =	simm.s32 @!p0 $0x1  }
0x162: {  	_ =	swait.ge @!p0 [sflag:s0], s1  }
0x163: {  	s1 =	ssub.s32 @!p0 $0x0, s1;
	[sflag:s0] =	ssyncset.done @!p0 $0x0  }
0x164: {  	[sflag:s0] =	ssyncadd.s32 @!p0 s1  }
0x165: {  	[bflag:$0x3] =	sbarrier.arrive $0xFFFF  }
0x166: {  	_ =	shalt  }

</sc_bundles>
